<compile_context>
chip_gen: v7x
topology: tpu7x:2x2x1
jax: 0.10.2.dev20260603
libtpu: 0.0.44.dev20260713+nightly
codegen_flags: <defaults>
</compile_context>

<pallas_src>
import functools
import jax
import jax.numpy as jnp
from jax import lax
from jax.experimental import pallas as pl
from jax.experimental.pallas import tpu as pltpu
from jax.experimental.pallas import tpu_sc as plsc

_NW = 32
_CHUNK = 16384
_UNROLL = 12


def _make_sc(total):
    per_w = total // _NW
    n_chunks = per_w // _CHUNK
    n_iters = n_chunks // 4
    mesh = plsc.VectorSubcoreMesh(core_axis_name="c", subcore_axis_name="s")

    @functools.partial(
        pl.kernel,
        mesh=mesh,
        out_type=jax.ShapeDtypeStruct((total,), jnp.float32),
        scratch_types=[
            pltpu.VMEM((_CHUNK,), jnp.float32),
            pltpu.VMEM((_CHUNK,), jnp.float32),
            pltpu.VMEM((_CHUNK,), jnp.float32),
            pltpu.VMEM((_CHUNK,), jnp.float32),
            pltpu.VMEM((_CHUNK,), jnp.float32),
            pltpu.VMEM((_CHUNK,), jnp.float32),
            pltpu.SemaphoreType.DMA,
            pltpu.SemaphoreType.DMA,
            pltpu.SemaphoreType.DMA,
            pltpu.SemaphoreType.DMA,
            pltpu.SemaphoreType.DMA,
            pltpu.SemaphoreType.DMA,
        ],
    )
    def k(x_hbm, out_hbm, in0, in1, in2, in3, out0, out1,
          si0, si1, si2, si3, so0, so1):
        wid = lax.axis_index("s") * 2 + lax.axis_index("c")
        base = wid * per_w
        lane = lax.iota(jnp.int32, 16)
        grp = lane & ~3
        p1 = (grp | ((lane + 1) & 3))[:, None]
        p2 = (grp | ((lane + 2) & 3))[:, None]
        dnums = lax.GatherDimensionNumbers(
            offset_dims=(), collapsed_slice_dims=(0,), start_index_map=(0,)
        )

        def _perm(v, p):
            return lax.gather(
                v, p, dnums, slice_sizes=(1,),
                mode=lax.GatherScatterMode.PROMISE_IN_BOUNDS,
            )

        def _compute(buf_in, buf_out):
            @plsc.parallel_loop(0, _CHUNK, step=16, unroll=_UNROLL)
            def vec_body(b):
                v = buf_in[pl.ds(b, 16)]
                y1 = _perm(v, p1)
                mx1 = jnp.maximum(v, y1)
                mn1 = jnp.minimum(v, y1)
                mx2 = _perm(mx1, p2)
                mn2 = _perm(mn1, p2)
                second = jnp.maximum(
                    jnp.minimum(mx1, mx2), jnp.maximum(mn1, mn2)
                )
                buf_out[pl.ds(b, 16)] = jnp.where(v >= second, v, 0.0)

        ins = ((in0, si0), (in1, si1), (in2, si2), (in3, si3))
        outs = ((out0, so0), (out1, so1))

        for q in range(4):
            pltpu.async_copy(
                x_hbm.at[pl.ds(base + q * _CHUNK, _CHUNK)], ins[q][0],
                ins[q][1],
            )

        def iter_body(i, carry):
            c0 = 4 * i
            for q in range(4):
                ib, isem = ins[q]
                ob, osem = outs[q % 2]
                off = base + (c0 + q) * _CHUNK
                pltpu.make_async_copy(
                    x_hbm.at[pl.ds(off, _CHUNK)], ib, isem
                ).wait()

                prev_off = base + lax.rem(
                    c0 + q - 2 + n_chunks, n_chunks
                ) * _CHUNK

                @pl.when(jnp.logical_or(i > 0, q >= 2))
                def _():
                    pltpu.make_async_copy(
                        ob, out_hbm.at[pl.ds(prev_off, _CHUNK)], osem
                    ).wait()

                _compute(ib, ob)
                pltpu.async_copy(ob, out_hbm.at[pl.ds(off, _CHUNK)], osem)
                nxt = base + lax.rem(c0 + q + 4, n_chunks) * _CHUNK
                pltpu.async_copy(x_hbm.at[pl.ds(nxt, _CHUNK)], ib, isem)
            return carry

        lax.fori_loop(0, n_iters, iter_body, 0)

        for q in range(4):
            pltpu.make_async_copy(
                x_hbm.at[pl.ds(base + q * _CHUNK, _CHUNK)], ins[q][0],
                ins[q][1],
            ).wait()
        for q in range(2):
            pltpu.make_async_copy(
                outs[q][0],
                out_hbm.at[pl.ds(base + q * _CHUNK, _CHUNK)], outs[q][1],
            ).wait()

    return k


def kernel(input):
    n, d = input.shape
    flat = input.reshape(n * d)
    out = _make_sc(n * d)(flat)
    return out.reshape(n, d)

# --- scband reference (transcript-rebuilt; emitter-appended) ---
"""Pipeline reference for scband-sparsity-11373073399928 (READ-ONLY COPY).

The authoritative reference and input builder live on the scoring server;
editing this copy changes nothing except your own understanding.
"""

import jax, jax.numpy as jnp
import numpy as np

# Global sparsity config mirrored from constant.args.sparsity.weight:
#   n=2, m=4 (classic 2:4 structured sparsity). activation.n2 is falsy -> second mask pass disabled.
SPARSITY_N = 2
SPARSITY_M = 4


def setup_inputs(seed: int = 0) -> dict:
    key = jax.random.key(seed)
    x = jax.random.normal(key, (8192, 4096), dtype=jnp.float32)
    return {"input": x}


def reference(input):
    # 2D path of SparsityFunction.forward (len(input.shape) == 2)
    n, m = SPARSITY_N, SPARSITY_M
    N, D = input.shape
    # D % m == 0, so we take the masking branch.
    b = jnp.reshape(input, (N, D // m, m))
    # NOTE: the 2D path uses raw values (not abs) for topk, faithful to the original.
    a, _ = jax.lax.top_k(b, n)          # (N, D//m, n), sorted descending
    a = a[:, :, n - 1:n]                # n-th largest value per group, (N, D//m, 1)
    tmp = b < a
    mask = jnp.where(tmp, jnp.zeros_like(b), jnp.ones_like(b))
    mask = jnp.reshape(mask, (N, D))
    mask = mask.astype(bool)
    return input * mask

if __name__ == "__main__":
    import jax
    _d = setup_inputs()
    print(jax.jit(kernel)(*tuple(_d.values())))

</pallas_src>

<mosaic_0001>
#map = affine_map<(d0, d1) -> (0)>
module attributes {stable_mosaic.version = 14 : i64} {
  func.func @k(%arg0: i32, %arg1: i32, %arg2: memref<33554432xf32, #tpu.memory_space<hbm>>, %arg3: memref<33554432xf32, #tpu.memory_space<hbm>>, %arg4: memref<16384xf32, #tpu.memory_space<vmem>>, %arg5: memref<16384xf32, #tpu.memory_space<vmem>>, %arg6: memref<16384xf32, #tpu.memory_space<vmem>>, %arg7: memref<16384xf32, #tpu.memory_space<vmem>>, %arg8: memref<16384xf32, #tpu.memory_space<vmem>>, %arg9: memref<16384xf32, #tpu.memory_space<vmem>>, %arg10: memref<!tpu.dma_semaphore, #tpu.memory_space<semaphore_mem>>, %arg11: memref<!tpu.dma_semaphore, #tpu.memory_space<semaphore_mem>>, %arg12: memref<!tpu.dma_semaphore, #tpu.memory_space<semaphore_mem>>, %arg13: memref<!tpu.dma_semaphore, #tpu.memory_space<semaphore_mem>>, %arg14: memref<!tpu.dma_semaphore, #tpu.memory_space<semaphore_mem>>, %arg15: memref<!tpu.dma_semaphore, #tpu.memory_space<semaphore_mem>>) attributes {dimension_semantics = [#tpu.dimension_semantics<core_parallel>, #tpu.dimension_semantics<subcore_parallel>], iteration_bounds = array<i64: 2, 16>, scalar_prefetch = 0 : i64, scratch_operands = 12 : i64, tpu.core_type = #tpu.core_type<sc_vector_subcore>, window_params = [{transform_indices = #map}, {transform_indices = #map}]} {
    %mul3A = arith.constant 2 : i32
    %mul3A_0 = arith.muli %arg1, %mul3A : i32
    %add3A = arith.addi %mul3A_0, %arg0 : i32
    %mul3A_1 = arith.constant 1048576 : i32
    %mul3A_2 = arith.muli %add3A, %mul3A_1 : i32
    %iota3A = tpu.iota {dimensions = array<i32: 0>} : vector<16xi32>
    %and3A = arith.constant -4 : i32
    %and3A_3 = vector.broadcast %and3A : i32 to vector<16xi32>
    %and3A_4 = arith.andi %iota3A, %and3A_3 : vector<16xi32>
    %add3A_5 = arith.constant 1 : i32
    %add3A_6 = vector.broadcast %add3A_5 : i32 to vector<16xi32>
    %add3A_7 = arith.addi %iota3A, %add3A_6 : vector<16xi32>
    %and3A_8 = arith.constant 3 : i32
    %and3A_9 = vector.broadcast %and3A_8 : i32 to vector<16xi32>
    %and3A_10 = arith.andi %add3A_7, %and3A_9 : vector<16xi32>
    %or3A = arith.ori %and3A_4, %and3A_10 : vector<16xi32>
    %broadcast_in_dim3A = vector.shape_cast %or3A : vector<16xi32> to vector<16x1xi32>
    %add3A_11 = arith.constant 2 : i32
    %add3A_12 = vector.broadcast %add3A_11 : i32 to vector<16xi32>
    %add3A_13 = arith.addi %iota3A, %add3A_12 : vector<16xi32>
    %and3A_14 = arith.constant 3 : i32
    %and3A_15 = vector.broadcast %and3A_14 : i32 to vector<16xi32>
    %and3A_16 = arith.andi %add3A_13, %and3A_15 : vector<16xi32>
    %or3A_17 = arith.ori %and3A_4, %and3A_16 : vector<16xi32>
    %broadcast_in_dim3A_18 = vector.shape_cast %or3A_17 : vector<16xi32> to vector<16x1xi32>
    %add3A_19 = arith.constant 0 : i32
    %add3A_20 = arith.addi %mul3A_2, %add3A_19 : i32
    %dma_start3A = tpu.memref_slice %arg2[%add3A_20] : memref<33554432xf32, #tpu.memory_space<hbm>> -> memref<16384xf32, #tpu.memory_space<hbm>>
    %dma_start3A_21 = tpu.memref_slice %arg2[%add3A_20] : memref<33554432xf32, #tpu.memory_space<hbm>> -> memref<16384xf32, #tpu.memory_space<hbm>>
    tpu.enqueue_dma source(%dma_start3A_21 : memref<16384xf32, #tpu.memory_space<hbm>>) target(%arg4 : memref<16384xf32, #tpu.memory_space<vmem>>) target_semaphore(%arg10 : memref<!tpu.dma_semaphore, #tpu.memory_space<semaphore_mem>>)
    %add3A_22 = arith.constant 16384 : i32
    %add3A_23 = arith.addi %mul3A_2, %add3A_22 : i32
    %dma_start3A_24 = tpu.memref_slice %arg2[%add3A_23] : memref<33554432xf32, #tpu.memory_space<hbm>> -> memref<16384xf32, #tpu.memory_space<hbm>>
    %dma_start3A_25 = tpu.memref_slice %arg2[%add3A_23] : memref<33554432xf32, #tpu.memory_space<hbm>> -> memref<16384xf32, #tpu.memory_space<hbm>>
    tpu.enqueue_dma source(%dma_start3A_25 : memref<16384xf32, #tpu.memory_space<hbm>>) target(%arg5 : memref<16384xf32, #tpu.memory_space<vmem>>) target_semaphore(%arg11 : memref<!tpu.dma_semaphore, #tpu.memory_space<semaphore_mem>>)
    %add3A_26 = arith.constant 32768 : i32
    %add3A_27 = arith.addi %mul3A_2, %add3A_26 : i32
    %dma_start3A_28 = tpu.memref_slice %arg2[%add3A_27] : memref<33554432xf32, #tpu.memory_space<hbm>> -> memref<16384xf32, #tpu.memory_space<hbm>>
    %dma_start3A_29 = tpu.memref_slice %arg2[%add3A_27] : memref<33554432xf32, #tpu.memory_space<hbm>> -> memref<16384xf32, #tpu.memory_space<hbm>>
    tpu.enqueue_dma source(%dma_start3A_29 : memref<16384xf32, #tpu.memory_space<hbm>>) target(%arg6 : memref<16384xf32, #tpu.memory_space<vmem>>) target_semaphore(%arg12 : memref<!tpu.dma_semaphore, #tpu.memory_space<semaphore_mem>>)
    %add3A_30 = arith.constant 49152 : i32
    %add3A_31 = arith.addi %mul3A_2, %add3A_30 : i32
    %dma_start3A_32 = tpu.memref_slice %arg2[%add3A_31] : memref<33554432xf32, #tpu.memory_space<hbm>> -> memref<16384xf32, #tpu.memory_space<hbm>>
    %dma_start3A_33 = tpu.memref_slice %arg2[%add3A_31] : memref<33554432xf32, #tpu.memory_space<hbm>> -> memref<16384xf32, #tpu.memory_space<hbm>>
    tpu.enqueue_dma source(%dma_start3A_33 : memref<16384xf32, #tpu.memory_space<hbm>>) target(%arg7 : memref<16384xf32, #tpu.memory_space<vmem>>) target_semaphore(%arg13 : memref<!tpu.dma_semaphore, #tpu.memory_space<semaphore_mem>>)
    %scan3A = arith.constant 0 : i32
    %scan3A_34 = arith.constant 0 : i32
    %scan3A_35 = arith.constant 16 : i32
    %scan3A_36 = arith.addi %scan3A_34, %scan3A_35 : i32
    %scan3A_37 = arith.constant 1 : i32
    scf.for %scan3A_62 = %scan3A_34 to %scan3A_36 step %scan3A_37  : i32 {
      %mul3A_63 = arith.constant 4 : i32
      %mul3A_64 = arith.muli %mul3A_63, %scan3A_62 : i32
      %add3A_65 = arith.constant 0 : i32
      %add3A_66 = arith.addi %mul3A_64, %add3A_65 : i32
      %mul3A_67 = arith.constant 16384 : i32
      %mul3A_68 = arith.muli %add3A_66, %mul3A_67 : i32
      %add3A_69 = arith.addi %mul3A_2, %mul3A_68 : i32
      %dma_wait3A_70 = tpu.memref_slice %arg2[%add3A_69] : memref<33554432xf32, #tpu.memory_space<hbm>> -> memref<16384xf32, #tpu.memory_space<hbm>>
      %dma_wait3A_71 = tpu.memref_slice %arg2[%add3A_69] : memref<33554432xf32, #tpu.memory_space<hbm>> -> memref<16384xf32, #tpu.memory_space<hbm>>
      tpu.wait_dma2 semaphore(%arg10 : memref<!tpu.dma_semaphore, #tpu.memory_space<semaphore_mem>>) src(%dma_wait3A_71 : memref<16384xf32, #tpu.memory_space<hbm>>) dst(%arg4 : memref<16384xf32, #tpu.memory_space<vmem>>)
      %add3A_72 = arith.constant 0 : i32
      %add3A_73 = arith.addi %mul3A_64, %add3A_72 : i32
      %sub3A = arith.constant 2 : i32
      %sub3A_74 = arith.subi %add3A_73, %sub3A : i32
      %add3A_75 = arith.constant 64 : i32
      %add3A_76 = arith.addi %sub3A_74, %add3A_75 : i32
      %rem3A = arith.constant 64 : i32
      %rem3A_77 = arith.remsi %add3A_76, %rem3A : i32
      %mul3A_78 = arith.constant 16384 : i32
      %mul3A_79 = arith.muli %rem3A_77, %mul3A_78 : i32
      %add3A_80 = arith.addi %mul3A_2, %mul3A_79 : i32
      %gt3A = arith.constant 0 : i32
      %gt3A_81 = arith.cmpi sgt, %scan3A_62, %gt3A : i32
      %or3A_82 = arith.constant false
      %or3A_83 = arith.ori %gt3A_81, %or3A_82 : i1
      %convert_element_type3A = arith.extui %or3A_83 : i1 to i32
      %cond3A = arith.constant 0 : i32
      %cond3A_84 = arith.cmpi ne, %convert_element_type3A, %cond3A : i32
      scf.if %cond3A_84 {
        %dma_wait3A_223 = tpu.memref_slice %arg3[%add3A_80] : memref<33554432xf32, #tpu.memory_space<hbm>> -> memref<16384xf32, #tpu.memory_space<hbm>>
        %dma_wait3A_224 = tpu.memref_slice %arg3[%add3A_80] : memref<33554432xf32, #tpu.memory_space<hbm>> -> memref<16384xf32, #tpu.memory_space<hbm>>
        tpu.wait_dma2 semaphore(%arg14 : memref<!tpu.dma_semaphore, #tpu.memory_space<semaphore_mem>>) src(%arg8 : memref<16384xf32, #tpu.memory_space<vmem>>) dst(%dma_wait3A_224 : memref<16384xf32, #tpu.memory_space<hbm>>)
      } else {
      }
      %parallel_loop3A = arith.constant 0 : i32
      %parallel_loop3A_85 = arith.constant 16384 : i32
      %parallel_loop3A_86 = arith.constant 16 : i32
      scf.for %parallel_loop3A_223 = %parallel_loop3A to %parallel_loop3A_85 step %parallel_loop3A_86  : i32 {
        %parallel_loop3A_224 = arith.index_cast %parallel_loop3A_223 : i32 to index
        %parallel_loop3A_225 = tpu.vector_load %arg4[%parallel_loop3A_224] {strides = array<i32>} : memref<16384xf32, #tpu.memory_space<vmem>>, vector<16xf32>,
        %parallel_loop3A_226 = vector.shape_cast %parallel_loop3A_225 : vector<16xf32> to vector<16xf32>
        %parallel_loop3A_227 = vector.shape_cast %broadcast_in_dim3A : vector<16x1xi32> to vector<16xi32>
        %parallel_loop3A_228 = tpu.dynamic_gather %parallel_loop3A_226[%parallel_loop3A_227] in [0] : vector<16xf32>, vector<16xi32> -> vector<16xf32>
        %parallel_loop3A_229 = arith.maximumf %parallel_loop3A_226, %parallel_loop3A_228 : vector<16xf32>
        %parallel_loop3A_230 = arith.minimumf %parallel_loop3A_226, %parallel_loop3A_228 : vector<16xf32>
        %parallel_loop3A_231 = vector.shape_cast %broadcast_in_dim3A_18 : vector<16x1xi32> to vector<16xi32>
        %parallel_loop3A_232 = tpu.dynamic_gather %parallel_loop3A_229[%parallel_loop3A_231] in [0] : vector<16xf32>, vector<16xi32> -> vector<16xf32>
        %parallel_loop3A_233 = vector.shape_cast %broadcast_in_dim3A_18 : vector<16x1xi32> to vector<16xi32>
        %parallel_loop3A_234 = tpu.dynamic_gather %parallel_loop3A_230[%parallel_loop3A_233] in [0] : vector<16xf32>, vector<16xi32> -> vector<16xf32>
        %parallel_loop3A_235 = arith.minimumf %parallel_loop3A_229, %parallel_loop3A_232 : vector<16xf32>
        %parallel_loop3A_236 = arith.maximumf %parallel_loop3A_230, %parallel_loop3A_234 : vector<16xf32>
        %parallel_loop3A_237 = arith.maximumf %parallel_loop3A_235, %parallel_loop3A_236 : vector<16xf32>
        %parallel_loop3A_238 = arith.cmpf oge, %parallel_loop3A_226, %parallel_loop3A_237 : vector<16xf32>
        %parallel_loop3A_239 = arith.constant 0.000000e+00 : f32
        %parallel_loop3A_240 = vector.broadcast %parallel_loop3A_239 : f32 to vector<16xf32>
        %parallel_loop3A_241 = arith.select %parallel_loop3A_238, %parallel_loop3A_226, %parallel_loop3A_240 : vector<16xi1>, vector<16xf32>
        %parallel_loop3A_242 = arith.index_cast %parallel_loop3A_223 : i32 to index
        %parallel_loop3A_243 = tpu.vector_load %arg8[%parallel_loop3A_242] {strides = array<i32>} : memref<16384xf32, #tpu.memory_space<vmem>>, vector<16xf32>,
        %parallel_loop3A_244 = vector.shape_cast %parallel_loop3A_243 : vector<16xf32> to vector<16xf32>
        %parallel_loop3A_245 = vector.shape_cast %parallel_loop3A_241 : vector<16xf32> to vector<16xf32>
        tpu.vector_store %arg8[%parallel_loop3A_242], %parallel_loop3A_245 {strides = array<i32>} : memref<16384xf32, #tpu.memory_space<vmem>>, vector<16xf32>,
      } {sc.loop_unroll_factor = 12 : i64, sc.parallel_access}
      %dma_start3A_87 = tpu.memref_slice %arg3[%add3A_69] : memref<33554432xf32, #tpu.memory_space<hbm>> -> memref<16384xf32, #tpu.memory_space<hbm>>
      %dma_start3A_88 = tpu.memref_slice %arg3[%add3A_69] : memref<33554432xf32, #tpu.memory_space<hbm>> -> memref<16384xf32, #tpu.memory_space<hbm>>
      tpu.enqueue_dma source(%arg8 : memref<16384xf32, #tpu.memory_space<vmem>>) target(%dma_start3A_88 : memref<16384xf32, #tpu.memory_space<hbm>>) target_semaphore(%arg14 : memref<!tpu.dma_semaphore, #tpu.memory_space<semaphore_mem>>)
      %add3A_89 = arith.constant 0 : i32
      %add3A_90 = arith.addi %mul3A_64, %add3A_89 : i32
      %add3A_91 = arith.constant 4 : i32
      %add3A_92 = arith.addi %add3A_90, %add3A_91 : i32
      %rem3A_93 = arith.constant 64 : i32
      %rem3A_94 = arith.remsi %add3A_92, %rem3A_93 : i32
      %mul3A_95 = arith.constant 16384 : i32
      %mul3A_96 = arith.muli %rem3A_94, %mul3A_95 : i32
      %add3A_97 = arith.addi %mul3A_2, %mul3A_96 : i32
      %dma_start3A_98 = tpu.memref_slice %arg2[%add3A_97] : memref<33554432xf32, #tpu.memory_space<hbm>> -> memref<16384xf32, #tpu.memory_space<hbm>>
      %dma_start3A_99 = tpu.memref_slice %arg2[%add3A_97] : memref<33554432xf32, #tpu.memory_space<hbm>> -> memref<16384xf32, #tpu.memory_space<hbm>>
      tpu.enqueue_dma source(%dma_start3A_99 : memref<16384xf32, #tpu.memory_space<hbm>>) target(%arg4 : memref<16384xf32, #tpu.memory_space<vmem>>) target_semaphore(%arg10 : memref<!tpu.dma_semaphore, #tpu.memory_space<semaphore_mem>>)
      %add3A_100 = arith.constant 1 : i32
      %add3A_101 = arith.addi %mul3A_64, %add3A_100 : i32
      %mul3A_102 = arith.constant 16384 : i32
      %mul3A_103 = arith.muli %add3A_101, %mul3A_102 : i32
      %add3A_104 = arith.addi %mul3A_2, %mul3A_103 : i32
      %dma_wait3A_105 = tpu.memref_slice %arg2[%add3A_104] : memref<33554432xf32, #tpu.memory_space<hbm>> -> memref<16384xf32, #tpu.memory_space<hbm>>
      %dma_wait3A_106 = tpu.memref_slice %arg2[%add3A_104] : memref<33554432xf32, #tpu.memory_space<hbm>> -> memref<16384xf32, #tpu.memory_space<hbm>>
      tpu.wait_dma2 semaphore(%arg11 : memref<!tpu.dma_semaphore, #tpu.memory_space<semaphore_mem>>) src(%dma_wait3A_106 : memref<16384xf32, #tpu.memory_space<hbm>>) dst(%arg5 : memref<16384xf32, #tpu.memory_space<vmem>>)
      %add3A_107 = arith.constant 1 : i32
      %add3A_108 = arith.addi %mul3A_64, %add3A_107 : i32
      %sub3A_109 = arith.constant 2 : i32
      %sub3A_110 = arith.subi %add3A_108, %sub3A_109 : i32
      %add3A_111 = arith.constant 64 : i32
      %add3A_112 = arith.addi %sub3A_110, %add3A_111 : i32
      %rem3A_113 = arith.constant 64 : i32
      %rem3A_114 = arith.remsi %add3A_112, %rem3A_113 : i32
      %mul3A_115 = arith.constant 16384 : i32
      %mul3A_116 = arith.muli %rem3A_114, %mul3A_115 : i32
      %add3A_117 = arith.addi %mul3A_2, %mul3A_116 : i32
      %gt3A_118 = arith.constant 0 : i32
      %gt3A_119 = arith.cmpi sgt, %scan3A_62, %gt3A_118 : i32
      %or3A_120 = arith.constant false
      %or3A_121 = arith.ori %gt3A_119, %or3A_120 : i1
      %convert_element_type3A_122 = arith.extui %or3A_121 : i1 to i32
      %cond3A_123 = arith.constant 0 : i32
      %cond3A_124 = arith.cmpi ne, %convert_element_type3A_122, %cond3A_123 : i32
      scf.if %cond3A_124 {
        %dma_wait3A_223 = tpu.memref_slice %arg3[%add3A_117] : memref<33554432xf32, #tpu.memory_space<hbm>> -> memref<16384xf32, #tpu.memory_space<hbm>>
        %dma_wait3A_224 = tpu.memref_slice %arg3[%add3A_117] : memref<33554432xf32, #tpu.memory_space<hbm>> -> memref<16384xf32, #tpu.memory_space<hbm>>
        tpu.wait_dma2 semaphore(%arg15 : memref<!tpu.dma_semaphore, #tpu.memory_space<semaphore_mem>>) src(%arg9 : memref<16384xf32, #tpu.memory_space<vmem>>) dst(%dma_wait3A_224 : memref<16384xf32, #tpu.memory_space<hbm>>)
      } else {
      }
      %parallel_loop3A_125 = arith.constant 0 : i32
      %parallel_loop3A_126 = arith.constant 16384 : i32
      %parallel_loop3A_127 = arith.constant 16 : i32
      scf.for %parallel_loop3A_223 = %parallel_loop3A_125 to %parallel_loop3A_126 step %parallel_loop3A_127  : i32 {
        %parallel_loop3A_224 = arith.index_cast %parallel_loop3A_223 : i32 to index
        %parallel_loop3A_225 = tpu.vector_load %arg5[%parallel_loop3A_224] {strides = array<i32>} : memref<16384xf32, #tpu.memory_space<vmem>>, vector<16xf32>,
        %parallel_loop3A_226 = vector.shape_cast %parallel_loop3A_225 : vector<16xf32> to vector<16xf32>
        %parallel_loop3A_227 = vector.shape_cast %broadcast_in_dim3A : vector<16x1xi32> to vector<16xi32>
        %parallel_loop3A_228 = tpu.dynamic_gather %parallel_loop3A_226[%parallel_loop3A_227] in [0] : vector<16xf32>, vector<16xi32> -> vector<16xf32>
        %parallel_loop3A_229 = arith.maximumf %parallel_loop3A_226, %parallel_loop3A_228 : vector<16xf32>
        %parallel_loop3A_230 = arith.minimumf %parallel_loop3A_226, %parallel_loop3A_228 : vector<16xf32>
        %parallel_loop3A_231 = vector.shape_cast %broadcast_in_dim3A_18 : vector<16x1xi32> to vector<16xi32>
        %parallel_loop3A_232 = tpu.dynamic_gather %parallel_loop3A_229[%parallel_loop3A_231] in [0] : vector<16xf32>, vector<16xi32> -> vector<16xf32>
        %parallel_loop3A_233 = vector.shape_cast %broadcast_in_dim3A_18 : vector<16x1xi32> to vector<16xi32>
        %parallel_loop3A_234 = tpu.dynamic_gather %parallel_loop3A_230[%parallel_loop3A_233] in [0] : vector<16xf32>, vector<16xi32> -> vector<16xf32>
        %parallel_loop3A_235 = arith.minimumf %parallel_loop3A_229, %parallel_loop3A_232 : vector<16xf32>
        %parallel_loop3A_236 = arith.maximumf %parallel_loop3A_230, %parallel_loop3A_234 : vector<16xf32>
        %parallel_loop3A_237 = arith.maximumf %parallel_loop3A_235, %parallel_loop3A_236 : vector<16xf32>
        %parallel_loop3A_238 = arith.cmpf oge, %parallel_loop3A_226, %parallel_loop3A_237 : vector<16xf32>
        %parallel_loop3A_239 = arith.constant 0.000000e+00 : f32
        %parallel_loop3A_240 = vector.broadcast %parallel_loop3A_239 : f32 to vector<16xf32>
        %parallel_loop3A_241 = arith.select %parallel_loop3A_238, %parallel_loop3A_226, %parallel_loop3A_240 : vector<16xi1>, vector<16xf32>
        %parallel_loop3A_242 = arith.index_cast %parallel_loop3A_223 : i32 to index
        %parallel_loop3A_243 = tpu.vector_load %arg9[%parallel_loop3A_242] {strides = array<i32>} : memref<16384xf32, #tpu.memory_space<vmem>>, vector<16xf32>,
        %parallel_loop3A_244 = vector.shape_cast %parallel_loop3A_243 : vector<16xf32> to vector<16xf32>
        %parallel_loop3A_245 = vector.shape_cast %parallel_loop3A_241 : vector<16xf32> to vector<16xf32>
        tpu.vector_store %arg9[%parallel_loop3A_242], %parallel_loop3A_245 {strides = array<i32>} : memref<16384xf32, #tpu.memory_space<vmem>>, vector<16xf32>,
      } {sc.loop_unroll_factor = 12 : i64, sc.parallel_access}
      %dma_start3A_128 = tpu.memref_slice %arg3[%add3A_104] : memref<33554432xf32, #tpu.memory_space<hbm>> -> memref<16384xf32, #tpu.memory_space<hbm>>
      %dma_start3A_129 = tpu.memref_slice %arg3[%add3A_104] : memref<33554432xf32, #tpu.memory_space<hbm>> -> memref<16384xf32, #tpu.memory_space<hbm>>
      tpu.enqueue_dma source(%arg9 : memref<16384xf32, #tpu.memory_space<vmem>>) target(%dma_start3A_129 : memref<16384xf32, #tpu.memory_space<hbm>>) target_semaphore(%arg15 : memref<!tpu.dma_semaphore, #tpu.memory_space<semaphore_mem>>)
      %add3A_130 = arith.constant 1 : i32
      %add3A_131 = arith.addi %mul3A_64, %add3A_130 : i32
      %add3A_132 = arith.constant 4 : i32
      %add3A_133 = arith.addi %add3A_131, %add3A_132 : i32
      %rem3A_134 = arith.constant 64 : i32
      %rem3A_135 = arith.remsi %add3A_133, %rem3A_134 : i32
      %mul3A_136 = arith.constant 16384 : i32
      %mul3A_137 = arith.muli %rem3A_135, %mul3A_136 : i32
      %add3A_138 = arith.addi %mul3A_2, %mul3A_137 : i32
      %dma_start3A_139 = tpu.memref_slice %arg2[%add3A_138] : memref<33554432xf32, #tpu.memory_space<hbm>> -> memref<16384xf32, #tpu.memory_space<hbm>>
      %dma_start3A_140 = tpu.memref_slice %arg2[%add3A_138] : memref<33554432xf32, #tpu.memory_space<hbm>> -> memref<16384xf32, #tpu.memory_space<hbm>>
      tpu.enqueue_dma source(%dma_start3A_140 : memref<16384xf32, #tpu.memory_space<hbm>>) target(%arg5 : memref<16384xf32, #tpu.memory_space<vmem>>) target_semaphore(%arg11 : memref<!tpu.dma_semaphore, #tpu.memory_space<semaphore_mem>>)
      %add3A_141 = arith.constant 2 : i32
      %add3A_142 = arith.addi %mul3A_64, %add3A_141 : i32
      %mul3A_143 = arith.constant 16384 : i32
      %mul3A_144 = arith.muli %add3A_142, %mul3A_143 : i32
      %add3A_145 = arith.addi %mul3A_2, %mul3A_144 : i32
      %dma_wait3A_146 = tpu.memref_slice %arg2[%add3A_145] : memref<33554432xf32, #tpu.memory_space<hbm>> -> memref<16384xf32, #tpu.memory_space<hbm>>
      %dma_wait3A_147 = tpu.memref_slice %arg2[%add3A_145] : memref<33554432xf32, #tpu.memory_space<hbm>> -> memref<16384xf32, #tpu.memory_space<hbm>>
      tpu.wait_dma2 semaphore(%arg12 : memref<!tpu.dma_semaphore, #tpu.memory_space<semaphore_mem>>) src(%dma_wait3A_147 : memref<16384xf32, #tpu.memory_space<hbm>>) dst(%arg6 : memref<16384xf32, #tpu.memory_space<vmem>>)
      %add3A_148 = arith.constant 2 : i32
      %add3A_149 = arith.addi %mul3A_64, %add3A_148 : i32
      %sub3A_150 = arith.constant 2 : i32
      %sub3A_151 = arith.subi %add3A_149, %sub3A_150 : i32
      %add3A_152 = arith.constant 64 : i32
      %add3A_153 = arith.addi %sub3A_151, %add3A_152 : i32
      %rem3A_154 = arith.constant 64 : i32
      %rem3A_155 = arith.remsi %add3A_153, %rem3A_154 : i32
      %mul3A_156 = arith.constant 16384 : i32
      %mul3A_157 = arith.muli %rem3A_155, %mul3A_156 : i32
      %add3A_158 = arith.addi %mul3A_2, %mul3A_157 : i32
      %gt3A_159 = arith.constant 0 : i32
      %gt3A_160 = arith.cmpi sgt, %scan3A_62, %gt3A_159 : i32
      %or3A_161 = arith.constant true
      %or3A_162 = arith.ori %gt3A_160, %or3A_161 : i1
      %convert_element_type3A_163 = arith.extui %or3A_162 : i1 to i32
      %cond3A_164 = arith.constant 0 : i32
      %cond3A_165 = arith.cmpi ne, %convert_element_type3A_163, %cond3A_164 : i32
      scf.if %cond3A_165 {
        %dma_wait3A_223 = tpu.memref_slice %arg3[%add3A_158] : memref<33554432xf32, #tpu.memory_space<hbm>> -> memref<16384xf32, #tpu.memory_space<hbm>>
        %dma_wait3A_224 = tpu.memref_slice %arg3[%add3A_158] : memref<33554432xf32, #tpu.memory_space<hbm>> -> memref<16384xf32, #tpu.memory_space<hbm>>
        tpu.wait_dma2 semaphore(%arg14 : memref<!tpu.dma_semaphore, #tpu.memory_space<semaphore_mem>>) src(%arg8 : memref<16384xf32, #tpu.memory_space<vmem>>) dst(%dma_wait3A_224 : memref<16384xf32, #tpu.memory_space<hbm>>)
      } else {
      }
      %parallel_loop3A_166 = arith.constant 0 : i32
      %parallel_loop3A_167 = arith.constant 16384 : i32
      %parallel_loop3A_168 = arith.constant 16 : i32
      scf.for %parallel_loop3A_223 = %parallel_loop3A_166 to %parallel_loop3A_167 step %parallel_loop3A_168  : i32 {
        %parallel_loop3A_224 = arith.index_cast %parallel_loop3A_223 : i32 to index
        %parallel_loop3A_225 = tpu.vector_load %arg6[%parallel_loop3A_224] {strides = array<i32>} : memref<16384xf32, #tpu.memory_space<vmem>>, vector<16xf32>,
        %parallel_loop3A_226 = vector.shape_cast %parallel_loop3A_225 : vector<16xf32> to vector<16xf32>
        %parallel_loop3A_227 = vector.shape_cast %broadcast_in_dim3A : vector<16x1xi32> to vector<16xi32>
        %parallel_loop3A_228 = tpu.dynamic_gather %parallel_loop3A_226[%parallel_loop3A_227] in [0] : vector<16xf32>, vector<16xi32> -> vector<16xf32>
        %parallel_loop3A_229 = arith.maximumf %parallel_loop3A_226, %parallel_loop3A_228 : vector<16xf32>
        %parallel_loop3A_230 = arith.minimumf %parallel_loop3A_226, %parallel_loop3A_228 : vector<16xf32>
        %parallel_loop3A_231 = vector.shape_cast %broadcast_in_dim3A_18 : vector<16x1xi32> to vector<16xi32>
        %parallel_loop3A_232 = tpu.dynamic_gather %parallel_loop3A_229[%parallel_loop3A_231] in [0] : vector<16xf32>, vector<16xi32> -> vector<16xf32>
        %parallel_loop3A_233 = vector.shape_cast %broadcast_in_dim3A_18 : vector<16x1xi32> to vector<16xi32>
        %parallel_loop3A_234 = tpu.dynamic_gather %parallel_loop3A_230[%parallel_loop3A_233] in [0] : vector<16xf32>, vector<16xi32> -> vector<16xf32>
        %parallel_loop3A_235 = arith.minimumf %parallel_loop3A_229, %parallel_loop3A_232 : vector<16xf32>
        %parallel_loop3A_236 = arith.maximumf %parallel_loop3A_230, %parallel_loop3A_234 : vector<16xf32>
        %parallel_loop3A_237 = arith.maximumf %parallel_loop3A_235, %parallel_loop3A_236 : vector<16xf32>
        %parallel_loop3A_238 = arith.cmpf oge, %parallel_loop3A_226, %parallel_loop3A_237 : vector<16xf32>
        %parallel_loop3A_239 = arith.constant 0.000000e+00 : f32
        %parallel_loop3A_240 = vector.broadcast %parallel_loop3A_239 : f32 to vector<16xf32>
        %parallel_loop3A_241 = arith.select %parallel_loop3A_238, %parallel_loop3A_226, %parallel_loop3A_240 : vector<16xi1>, vector<16xf32>
        %parallel_loop3A_242 = arith.index_cast %parallel_loop3A_223 : i32 to index
        %parallel_loop3A_243 = tpu.vector_load %arg8[%parallel_loop3A_242] {strides = array<i32>} : memref<16384xf32, #tpu.memory_space<vmem>>, vector<16xf32>,
        %parallel_loop3A_244 = vector.shape_cast %parallel_loop3A_243 : vector<16xf32> to vector<16xf32>
        %parallel_loop3A_245 = vector.shape_cast %parallel_loop3A_241 : vector<16xf32> to vector<16xf32>
        tpu.vector_store %arg8[%parallel_loop3A_242], %parallel_loop3A_245 {strides = array<i32>} : memref<16384xf32, #tpu.memory_space<vmem>>, vector<16xf32>,
      } {sc.loop_unroll_factor = 12 : i64, sc.parallel_access}
      %dma_start3A_169 = tpu.memref_slice %arg3[%add3A_145] : memref<33554432xf32, #tpu.memory_space<hbm>> -> memref<16384xf32, #tpu.memory_space<hbm>>
      %dma_start3A_170 = tpu.memref_slice %arg3[%add3A_145] : memref<33554432xf32, #tpu.memory_space<hbm>> -> memref<16384xf32, #tpu.memory_space<hbm>>
      tpu.enqueue_dma source(%arg8 : memref<16384xf32, #tpu.memory_space<vmem>>) target(%dma_start3A_170 : memref<16384xf32, #tpu.memory_space<hbm>>) target_semaphore(%arg14 : memref<!tpu.dma_semaphore, #tpu.memory_space<semaphore_mem>>)
      %add3A_171 = arith.constant 2 : i32
      %add3A_172 = arith.addi %mul3A_64, %add3A_171 : i32
      %add3A_173 = arith.constant 4 : i32
      %add3A_174 = arith.addi %add3A_172, %add3A_173 : i32
      %rem3A_175 = arith.constant 64 : i32
      %rem3A_176 = arith.remsi %add3A_174, %rem3A_175 : i32
      %mul3A_177 = arith.constant 16384 : i32
      %mul3A_178 = arith.muli %rem3A_176, %mul3A_177 : i32
      %add3A_179 = arith.addi %mul3A_2, %mul3A_178 : i32
      %dma_start3A_180 = tpu.memref_slice %arg2[%add3A_179] : memref<33554432xf32, #tpu.memory_space<hbm>> -> memref<16384xf32, #tpu.memory_space<hbm>>
      %dma_start3A_181 = tpu.memref_slice %arg2[%add3A_179] : memref<33554432xf32, #tpu.memory_space<hbm>> -> memref<16384xf32, #tpu.memory_space<hbm>>
      tpu.enqueue_dma source(%dma_start3A_181 : memref<16384xf32, #tpu.memory_space<hbm>>) target(%arg6 : memref<16384xf32, #tpu.memory_space<vmem>>) target_semaphore(%arg12 : memref<!tpu.dma_semaphore, #tpu.memory_space<semaphore_mem>>)
      %add3A_182 = arith.constant 3 : i32
      %add3A_183 = arith.addi %mul3A_64, %add3A_182 : i32
      %mul3A_184 = arith.constant 16384 : i32
      %mul3A_185 = arith.muli %add3A_183, %mul3A_184 : i32
      %add3A_186 = arith.addi %mul3A_2, %mul3A_185 : i32
      %dma_wait3A_187 = tpu.memref_slice %arg2[%add3A_186] : memref<33554432xf32, #tpu.memory_space<hbm>> -> memref<16384xf32, #tpu.memory_space<hbm>>
      %dma_wait3A_188 = tpu.memref_slice %arg2[%add3A_186] : memref<33554432xf32, #tpu.memory_space<hbm>> -> memref<16384xf32, #tpu.memory_space<hbm>>
      tpu.wait_dma2 semaphore(%arg13 : memref<!tpu.dma_semaphore, #tpu.memory_space<semaphore_mem>>) src(%dma_wait3A_188 : memref<16384xf32, #tpu.memory_space<hbm>>) dst(%arg7 : memref<16384xf32, #tpu.memory_space<vmem>>)
      %add3A_189 = arith.constant 3 : i32
      %add3A_190 = arith.addi %mul3A_64, %add3A_189 : i32
      %sub3A_191 = arith.constant 2 : i32
      %sub3A_192 = arith.subi %add3A_190, %sub3A_191 : i32
      %add3A_193 = arith.constant 64 : i32
      %add3A_194 = arith.addi %sub3A_192, %add3A_193 : i32
      %rem3A_195 = arith.constant 64 : i32
      %rem3A_196 = arith.remsi %add3A_194, %rem3A_195 : i32
      %mul3A_197 = arith.constant 16384 : i32
      %mul3A_198 = arith.muli %rem3A_196, %mul3A_197 : i32
      %add3A_199 = arith.addi %mul3A_2, %mul3A_198 : i32
      %gt3A_200 = arith.constant 0 : i32
      %gt3A_201 = arith.cmpi sgt, %scan3A_62, %gt3A_200 : i32
      %or3A_202 = arith.constant true
      %or3A_203 = arith.ori %gt3A_201, %or3A_202 : i1
      %convert_element_type3A_204 = arith.extui %or3A_203 : i1 to i32
      %cond3A_205 = arith.constant 0 : i32
      %cond3A_206 = arith.cmpi ne, %convert_element_type3A_204, %cond3A_205 : i32
      scf.if %cond3A_206 {
        %dma_wait3A_223 = tpu.memref_slice %arg3[%add3A_199] : memref<33554432xf32, #tpu.memory_space<hbm>> -> memref<16384xf32, #tpu.memory_space<hbm>>
        %dma_wait3A_224 = tpu.memref_slice %arg3[%add3A_199] : memref<33554432xf32, #tpu.memory_space<hbm>> -> memref<16384xf32, #tpu.memory_space<hbm>>
        tpu.wait_dma2 semaphore(%arg15 : memref<!tpu.dma_semaphore, #tpu.memory_space<semaphore_mem>>) src(%arg9 : memref<16384xf32, #tpu.memory_space<vmem>>) dst(%dma_wait3A_224 : memref<16384xf32, #tpu.memory_space<hbm>>)
      } else {
      }
      %parallel_loop3A_207 = arith.constant 0 : i32
      %parallel_loop3A_208 = arith.constant 16384 : i32
      %parallel_loop3A_209 = arith.constant 16 : i32
      scf.for %parallel_loop3A_223 = %parallel_loop3A_207 to %parallel_loop3A_208 step %parallel_loop3A_209  : i32 {
        %parallel_loop3A_224 = arith.index_cast %parallel_loop3A_223 : i32 to index
        %parallel_loop3A_225 = tpu.vector_load %arg7[%parallel_loop3A_224] {strides = array<i32>} : memref<16384xf32, #tpu.memory_space<vmem>>, vector<16xf32>,
        %parallel_loop3A_226 = vector.shape_cast %parallel_loop3A_225 : vector<16xf32> to vector<16xf32>
        %parallel_loop3A_227 = vector.shape_cast %broadcast_in_dim3A : vector<16x1xi32> to vector<16xi32>
        %parallel_loop3A_228 = tpu.dynamic_gather %parallel_loop3A_226[%parallel_loop3A_227] in [0] : vector<16xf32>, vector<16xi32> -> vector<16xf32>
        %parallel_loop3A_229 = arith.maximumf %parallel_loop3A_226, %parallel_loop3A_228 : vector<16xf32>
        %parallel_loop3A_230 = arith.minimumf %parallel_loop3A_226, %parallel_loop3A_228 : vector<16xf32>
        %parallel_loop3A_231 = vector.shape_cast %broadcast_in_dim3A_18 : vector<16x1xi32> to vector<16xi32>
        %parallel_loop3A_232 = tpu.dynamic_gather %parallel_loop3A_229[%parallel_loop3A_231] in [0] : vector<16xf32>, vector<16xi32> -> vector<16xf32>
        %parallel_loop3A_233 = vector.shape_cast %broadcast_in_dim3A_18 : vector<16x1xi32> to vector<16xi32>
        %parallel_loop3A_234 = tpu.dynamic_gather %parallel_loop3A_230[%parallel_loop3A_233] in [0] : vector<16xf32>, vector<16xi32> -> vector<16xf32>
        %parallel_loop3A_235 = arith.minimumf %parallel_loop3A_229, %parallel_loop3A_232 : vector<16xf32>
        %parallel_loop3A_236 = arith.maximumf %parallel_loop3A_230, %parallel_loop3A_234 : vector<16xf32>
        %parallel_loop3A_237 = arith.maximumf %parallel_loop3A_235, %parallel_loop3A_236 : vector<16xf32>
        %parallel_loop3A_238 = arith.cmpf oge, %parallel_loop3A_226, %parallel_loop3A_237 : vector<16xf32>
        %parallel_loop3A_239 = arith.constant 0.000000e+00 : f32
        %parallel_loop3A_240 = vector.broadcast %parallel_loop3A_239 : f32 to vector<16xf32>
        %parallel_loop3A_241 = arith.select %parallel_loop3A_238, %parallel_loop3A_226, %parallel_loop3A_240 : vector<16xi1>, vector<16xf32>
        %parallel_loop3A_242 = arith.index_cast %parallel_loop3A_223 : i32 to index
        %parallel_loop3A_243 = tpu.vector_load %arg9[%parallel_loop3A_242] {strides = array<i32>} : memref<16384xf32, #tpu.memory_space<vmem>>, vector<16xf32>,
        %parallel_loop3A_244 = vector.shape_cast %parallel_loop3A_243 : vector<16xf32> to vector<16xf32>
        %parallel_loop3A_245 = vector.shape_cast %parallel_loop3A_241 : vector<16xf32> to vector<16xf32>
        tpu.vector_store %arg9[%parallel_loop3A_242], %parallel_loop3A_245 {strides = array<i32>} : memref<16384xf32, #tpu.memory_space<vmem>>, vector<16xf32>,
      } {sc.loop_unroll_factor = 12 : i64, sc.parallel_access}
      %dma_start3A_210 = tpu.memref_slice %arg3[%add3A_186] : memref<33554432xf32, #tpu.memory_space<hbm>> -> memref<16384xf32, #tpu.memory_space<hbm>>
      %dma_start3A_211 = tpu.memref_slice %arg3[%add3A_186] : memref<33554432xf32, #tpu.memory_space<hbm>> -> memref<16384xf32, #tpu.memory_space<hbm>>
      tpu.enqueue_dma source(%arg9 : memref<16384xf32, #tpu.memory_space<vmem>>) target(%dma_start3A_211 : memref<16384xf32, #tpu.memory_space<hbm>>) target_semaphore(%arg15 : memref<!tpu.dma_semaphore, #tpu.memory_space<semaphore_mem>>)
      %add3A_212 = arith.constant 3 : i32
      %add3A_213 = arith.addi %mul3A_64, %add3A_212 : i32
      %add3A_214 = arith.constant 4 : i32
      %add3A_215 = arith.addi %add3A_213, %add3A_214 : i32
      %rem3A_216 = arith.constant 64 : i32
      %rem3A_217 = arith.remsi %add3A_215, %rem3A_216 : i32
      %mul3A_218 = arith.constant 16384 : i32
      %mul3A_219 = arith.muli %rem3A_217, %mul3A_218 : i32
      %add3A_220 = arith.addi %mul3A_2, %mul3A_219 : i32
      %dma_start3A_221 = tpu.memref_slice %arg2[%add3A_220] : memref<33554432xf32, #tpu.memory_space<hbm>> -> memref<16384xf32, #tpu.memory_space<hbm>>
      %dma_start3A_222 = tpu.memref_slice %arg2[%add3A_220] : memref<33554432xf32, #tpu.memory_space<hbm>> -> memref<16384xf32, #tpu.memory_space<hbm>>
      tpu.enqueue_dma source(%dma_start3A_222 : memref<16384xf32, #tpu.memory_space<hbm>>) target(%arg7 : memref<16384xf32, #tpu.memory_space<vmem>>) target_semaphore(%arg13 : memref<!tpu.dma_semaphore, #tpu.memory_space<semaphore_mem>>)
    }
    %scan3A_38 = arith.constant 16 : i32
    %add3A_39 = arith.constant 0 : i32
    %add3A_40 = arith.addi %mul3A_2, %add3A_39 : i32
    %dma_wait3A = tpu.memref_slice %arg2[%add3A_40] : memref<33554432xf32, #tpu.memory_space<hbm>> -> memref<16384xf32, #tpu.memory_space<hbm>>
    %dma_wait3A_41 = tpu.memref_slice %arg2[%add3A_40] : memref<33554432xf32, #tpu.memory_space<hbm>> -> memref<16384xf32, #tpu.memory_space<hbm>>
    tpu.wait_dma2 semaphore(%arg10 : memref<!tpu.dma_semaphore, #tpu.memory_space<semaphore_mem>>) src(%dma_wait3A_41 : memref<16384xf32, #tpu.memory_space<hbm>>) dst(%arg4 : memref<16384xf32, #tpu.memory_space<vmem>>)
    %add3A_42 = arith.constant 16384 : i32
    %add3A_43 = arith.addi %mul3A_2, %add3A_42 : i32
    %dma_wait3A_44 = tpu.memref_slice %arg2[%add3A_43] : memref<33554432xf32, #tpu.memory_space<hbm>> -> memref<16384xf32, #tpu.memory_space<hbm>>
    %dma_wait3A_45 = tpu.memref_slice %arg2[%add3A_43] : memref<33554432xf32, #tpu.memory_space<hbm>> -> memref<16384xf32, #tpu.memory_space<hbm>>
    tpu.wait_dma2 semaphore(%arg11 : memref<!tpu.dma_semaphore, #tpu.memory_space<semaphore_mem>>) src(%dma_wait3A_45 : memref<16384xf32, #tpu.memory_space<hbm>>) dst(%arg5 : memref<16384xf32, #tpu.memory_space<vmem>>)
    %add3A_46 = arith.constant 32768 : i32
    %add3A_47 = arith.addi %mul3A_2, %add3A_46 : i32
    %dma_wait3A_48 = tpu.memref_slice %arg2[%add3A_47] : memref<33554432xf32, #tpu.memory_space<hbm>> -> memref<16384xf32, #tpu.memory_space<hbm>>
    %dma_wait3A_49 = tpu.memref_slice %arg2[%add3A_47] : memref<33554432xf32, #tpu.memory_space<hbm>> -> memref<16384xf32, #tpu.memory_space<hbm>>
    tpu.wait_dma2 semaphore(%arg12 : memref<!tpu.dma_semaphore, #tpu.memory_space<semaphore_mem>>) src(%dma_wait3A_49 : memref<16384xf32, #tpu.memory_space<hbm>>) dst(%arg6 : memref<16384xf32, #tpu.memory_space<vmem>>)
    %add3A_50 = arith.constant 49152 : i32
    %add3A_51 = arith.addi %mul3A_2, %add3A_50 : i32
    %dma_wait3A_52 = tpu.memref_slice %arg2[%add3A_51] : memref<33554432xf32, #tpu.memory_space<hbm>> -> memref<16384xf32, #tpu.memory_space<hbm>>
    %dma_wait3A_53 = tpu.memref_slice %arg2[%add3A_51] : memref<33554432xf32, #tpu.memory_space<hbm>> -> memref<16384xf32, #tpu.memory_space<hbm>>
    tpu.wait_dma2 semaphore(%arg13 : memref<!tpu.dma_semaphore, #tpu.memory_space<semaphore_mem>>) src(%dma_wait3A_53 : memref<16384xf32, #tpu.memory_space<hbm>>) dst(%arg7 : memref<16384xf32, #tpu.memory_space<vmem>>)
    %add3A_54 = arith.constant 0 : i32
    %add3A_55 = arith.addi %mul3A_2, %add3A_54 : i32
    %dma_wait3A_56 = tpu.memref_slice %arg3[%add3A_55] : memref<33554432xf32, #tpu.memory_space<hbm>> -> memref<16384xf32, #tpu.memory_space<hbm>>
    %dma_wait3A_57 = tpu.memref_slice %arg3[%add3A_55] : memref<33554432xf32, #tpu.memory_space<hbm>> -> memref<16384xf32, #tpu.memory_space<hbm>>
    tpu.wait_dma2 semaphore(%arg14 : memref<!tpu.dma_semaphore, #tpu.memory_space<semaphore_mem>>) src(%arg8 : memref<16384xf32, #tpu.memory_space<vmem>>) dst(%dma_wait3A_57 : memref<16384xf32, #tpu.memory_space<hbm>>)
    %add3A_58 = arith.constant 16384 : i32
    %add3A_59 = arith.addi %mul3A_2, %add3A_58 : i32
    %dma_wait3A_60 = tpu.memref_slice %arg3[%add3A_59] : memref<33554432xf32, #tpu.memory_space<hbm>> -> memref<16384xf32, #tpu.memory_space<hbm>>
    %dma_wait3A_61 = tpu.memref_slice %arg3[%add3A_59] : memref<33554432xf32, #tpu.memory_space<hbm>> -> memref<16384xf32, #tpu.memory_space<hbm>>
    tpu.wait_dma2 semaphore(%arg15 : memref<!tpu.dma_semaphore, #tpu.memory_space<semaphore_mem>>) src(%arg9 : memref<16384xf32, #tpu.memory_space<vmem>>) dst(%dma_wait3A_61 : memref<16384xf32, #tpu.memory_space<hbm>>)
    return
  }
}

</mosaic_0001>

<sc_bundles>
// kernel: kernel.3.cloned.1.call-start
scs
__scs_entry_jumppad:
0x0: {  	(pc) =	sbr.rel $0x88, $3  }
0x1: {  	(tag) =	ssettag $0x0;
	lr =	simm.s32 $0x1  }
0x2: {  	[smem:$0x3FA0] =	sst lr;
	_ =	strace $0xD0000000  }
0x3: {  	_ = 	snop  }
0x4: {  	_ = 	snop  }
0x5: {  	_ = 	snop  }
0x6: {  	_ = 	snop  }
0x7: {  	_ = 	snop  }
__scs_overlays_trampoline_lowered:
0x8: {  	[smem:$0x3FAF] =	sst s0  }
0x9: {  	[smem:$0x3FB0] =	sst s1  }
0xa: {  	[smem:$0x3FB1] =	sst s2  }
0xb: {  	[smem:$0x3FB2] =	sst s3  }
0xc: {  	[smem:$0x3FB3] =	sst s4  }
0xd: {  	[smem:$0x3FB4] =	sst s5  }
0xe: {  	[smem:$0x3FB5] =	sst s6  }
0xf: {  	[smem:$0x3FB6] =	sst s7  }
0x10: {  	[smem:$0x3FB7] =	sst s8  }
0x11: {  	[smem:$0x3FB8] =	sst s9;
	s0 =	simm.s32 @!p0 $0x0  }
0x12: {  	s1 =	sld [smem:$0x3F9E];
	s0 =	simm.s32 @p0 $0x1  }
0x13: {  	[smem:$0x3FB9] =	sst s0;
	s0 =	simm.s32 @!p1 $0x0  }
0x14: {  	s2 =	sld [smem:$0x3F9D];
	s0 =	simm.s32 @p1 $0x1  }
0x15: {  	[smem:$0x3FBA] =	sst s0;
	s0 =	simm.s32 @!p2 $0x0  }
0x16: {  	s3 =	sld [smem:$0x3FDB];
	s0 =	simm.s32 @p2 $0x1  }
0x17: {  	s4 =	simm.s32 $0x1BF5;
	[smem:$0x3FBC] =	sst s0  }
0x18: {  	s0 =	sld [smem:$0x3F9F];
	_ =	swait.ge [sflag:s4], $0x0  }
0x19: {  	s7 =	sld [smem:$0x3FA0]  }
0x1a: {  	s8 =	sadd.s32 $0xFFFFE003, lr  }
0x1b: {  	s9 =	sadd.s32 $0xFFFFFEF7, lr;
	s5 =	simm.s32 $0xFFFFFFFF;
	p2 =	slt.u32 s8, $0xFFFFF086  }
0x1c: {  	p1 =	slt.u32 s9, $0xF7A;
	s5 =	simm.s32 @!p2 $0x0  }
0x1d: {  	s5 =	simm.s32 @p1 $0x1;
	p0 =	seq.s32 s7, s2  }
0x1e: {  	s7 =	smul.u32 @!p0 $0xF7A, s2;
	p2 =	seq.s32 @!p0 s5, $0x0  }
0x1f: {  	s9 =	smul.u32 $0xF7A, s1;
	s8 =	simm.s32 @!p0 $0x1BF5;
	p2 =	por !p2, p0  }
0x20: {  	[sflag:s8] =	ssyncset.s32 @!p0 $0xFFFFF086;
	s6 =	sadd.s32 @!p0 s3, s7;
	s7 =	simm.s32 @!p0 $0x108  }
0x21: {  	s3 =	sadd.s32 s3, s9;
	s6 =	sadd.s32 @!p0 $0x88, s6;
	s7 =	simm.s32 @p2 $0x1082  }
0x22: {  	[simem:s7], [sflag:s8] =	dma.local @!p0 [hbm:s6], $0xF7A  }
0x23: {  	s9 =	sor.u32 $0xD0000000, s2;
	s6 =	simm.s32 $0x108;
	_ =	swait.ge @!p0 [sflag:s8], $0x0  }
0x24: {  	s3 =	sadd.s32 $0x88, s3;
	s6 =	simm.s32 @!p1 $0x1082;
	[sflag:s4] =	ssyncset.s32 $0xFFFFF086  }
0x25: {  	[simem:s6], [sflag:s4] =	dma.local [hbm:s3], $0xF7A  }
0x26: {  	[smem:$0x3FA0] =	sst s1;
	(tag) =	ssettag s2;
	_ =	strace s9  }
0x27: {  	s1 =	sld [smem:$0x3FB0]  }
0x28: {  	s2 =	sld [smem:$0x3FB1]  }
0x29: {  	s4 =	sld [smem:$0x3FB3]  }
0x2a: {  	p0 =	seq.s32 s5, $0x0;
	s5 =	sld [smem:$0x3FB4]  }
0x2b: {  	s6 =	sld [smem:$0x3FB5]  }
0x2c: {  	s7 =	sld [smem:$0x3FB6]  }
0x2d: {  	s3 =	simm.s32 $0x108;
	s8 =	sld [smem:$0x3FB7]  }
0x2e: {  	s3 =	simm.s32 @!p0 $0x1082;
	s9 =	sld [smem:$0x3FB8]  }
0x2f: {  	lr =	sadd.s32 s0, s3;
	s0 =	sld [smem:$0x3FAF]  }
0x30: {  	s3 =	sld [smem:$0x3FB2]  }
0x31: {  	[smem:$0x3FBB] =	sst s10  }
0x32: {  	s10 =	sld [smem:$0x3FB9];
	_ =	sdelay $0x3  }
0x33: {  	p0 =	seq.s32 s10, $0x1;
	s10 =	sld [smem:$0x3FBB];
	_ =	sdelay $0x3  }
0x34: {  	[smem:$0x3FBB] =	sst s10  }
0x35: {  	s10 =	sld [smem:$0x3FBA];
	_ =	sdelay $0x3  }
0x36: {  	p1 =	seq.s32 s10, $0x1;
	s10 =	sld [smem:$0x3FBB];
	_ =	sdelay $0x3  }
0x37: {  	[smem:$0x3FBB] =	sst s10  }
0x38: {  	s10 =	sld [smem:$0x3FBC]  }
0x39: {  	_ = 	snop;
	(pc) =	sbr.ind lr, $3  }
0x3a: {  	_ = 	snop  }
0x3b: {  	_ = 	snop  }
0x3c: {  	p2 =	seq.s32 s10, $0x1;
	s10 =	sld [smem:$0x3FBB]  }
0x3d: {  	_ =	shalt  }
0x3e: {  	_ =	shalt  }
0x3f: {  	_ =	shalt  }
0x40: {  	_ =	shalt  }
0x41: {  	_ =	shalt  }
0x42: {  	_ =	shalt  }
0x43: {  	_ =	shalt  }
0x44: {  	_ =	shalt  }
0x45: {  	_ =	shalt  }
0x46: {  	_ =	shalt  }
0x47: {  	_ =	shalt  }
0x48: {  	_ =	shalt  }
0x49: {  	_ =	shalt  }
0x4a: {  	_ =	shalt  }
0x4b: {  	_ =	shalt  }
0x4c: {  	_ =	shalt  }
0x4d: {  	_ =	shalt  }
0x4e: {  	_ =	shalt  }
0x4f: {  	_ =	shalt  }
0x50: {  	_ =	shalt  }
0x51: {  	_ =	shalt  }
0x52: {  	_ =	shalt  }
0x53: {  	_ =	shalt  }
0x54: {  	_ =	shalt  }
0x55: {  	_ =	shalt  }
0x56: {  	_ =	shalt  }
0x57: {  	_ =	shalt  }
0x58: {  	_ =	shalt  }
0x59: {  	_ =	shalt  }
0x5a: {  	_ =	shalt  }
0x5b: {  	_ =	shalt  }
0x5c: {  	_ =	shalt  }
0x5d: {  	_ =	shalt  }
0x5e: {  	_ =	shalt  }
0x5f: {  	_ =	shalt  }
0x60: {  	_ =	shalt  }
0x61: {  	_ =	shalt  }
0x62: {  	_ =	shalt  }
0x63: {  	_ =	shalt  }
0x64: {  	_ =	shalt  }
0x65: {  	_ =	shalt  }
0x66: {  	_ =	shalt  }
0x67: {  	_ =	shalt  }
0x68: {  	_ =	shalt  }
0x69: {  	_ =	shalt  }
0x6a: {  	_ =	shalt  }
0x6b: {  	_ =	shalt  }
0x6c: {  	_ =	shalt  }
0x6d: {  	_ =	shalt  }
0x6e: {  	_ =	shalt  }
0x6f: {  	_ =	shalt  }
0x70: {  	_ =	shalt  }
0x71: {  	_ =	shalt  }
0x72: {  	_ =	shalt  }
0x73: {  	_ =	shalt  }
0x74: {  	_ =	shalt  }
0x75: {  	_ =	shalt  }
0x76: {  	_ =	shalt  }
0x77: {  	_ =	shalt  }
0x78: {  	_ =	shalt  }
0x79: {  	_ =	shalt  }
0x7a: {  	_ =	shalt  }
0x7b: {  	_ =	shalt  }
0x7c: {  	_ =	shalt  }
0x7d: {  	_ =	shalt  }
0x7e: {  	_ =	shalt  }
0x7f: {  	_ =	shalt  }
0x80: {  	_ =	shalt  }
0x81: {  	_ =	shalt  }
0x82: {  	_ =	shalt  }
0x83: {  	_ =	shalt  }
0x84: {  	_ =	shalt  }
0x85: {  	_ =	shalt  }
0x86: {  	_ =	shalt  }
0x87: {  	_ =	shalt  }
.Lfunc_end0:
.L_simem_size_0:
called_computation.1_lowered:
.L_overlay_start_0:
0x88: {  	s2 =	sld [smem:$0x3FD9]  }
0x89: {  	s3 =	sld [smem:$0x3FFE];
	_ =	sdelay $0x1  }
0x8a: {  	s1 =	srdreg.scid  }
0x8b: {  	s0 =	sand.u32 $0x1, s1  }
0x8c: {  	s17 =	sshll.u32 s0, $0xA;
	s2 =	sadd.s32 s3, s2  }
0x8d: {  	s2 =	sadd.s32 s2, s17  }
0x8e: {  	[smem:$0x3FC7] =	sst s2  }
0x8f: {  	_ = 	snop  }
0x90: {  	s2 =	sld [smem:$0x3FD0];
	(tm) =	ssettm $0x1  }
0x91: {  	s18 =	sld [smem:$0x3FFB];
	_ =	sdelay $0x3  }
0x92: {  	_ =	strace s18  }
0x93: {  	s3 =	sld [smem:$0x3FFC];
	_ =	sdelay $0x3  }
0x94: {  	_ =	strace s3  }
0x95: {  	s3 =	sld [smem:$0x3FFD];
	_ =	sdelay $0x3  }
0x96: {  	_ =	strace s3  }
0x97: {  	_ =	strace $0x8FFFFFFF  }
0x98: {  	s19 =	sld [smem:$0x3FDB];
	_ =	sdelay $0x1  }
0x99: {  	s4 =	simm.s32 $_scs_section_size  }
0x9a: {  	s5 =	simm.s32 $_size__tile_overlayer_lowered;
	s6 =	simm.s32 $_tile_overlayer_lowered  }
0x9b: {  	s22 =	simm.s32 $0x1BFF;
	s21 =	sshll.u32 s6, $0x1;
	s3 =	sadd.s32 s4, s19  }
0x9c: {  	s7 =	simm.s32 $0x0;
	s20 =	sshll.u32 s5, $0x1;
	s5 =	sadd.s32 s21, s3  }
0x9d: {  	[timem:s7], [sflag:s22] =	dma.local [hbm:s5], s20  }
0x9e: {  	_ =	swait.ge [sflag:s22], s20  }
0x9f: {  	s4 =	ssub.s32 $0x0, s20;
	[sflag:s22] =	ssyncset.done $0x0  }
0xa0: {  	[sflag:s22] =	ssyncadd.s32 s4;
	_ =	sdelay $0x1  }
0xa1: {  	s23 =	simm.s32 $0x1B8B  }
0xa2: {  	_ =	swait.ge [sflag:s23], $0x1  }
0xa3: {  	[sflag:s23] =	ssyncset.done $0x0  }
0xa4: {  	s25 =	simm.s32 $0x1B8E;
	s24 =	sld [smem:$0x3FFE];
	[sflag:s23] =	ssyncadd.s32 $0xFFFFFFFF  }
0xa5: {  	s26 =	simm.s32 $execute0_lowered;
	[smem:$0x3FD2] =	sst s25  }
0xa6: {  	s5 =	sshll.u32 s26, $0x1;
	_ =	strace $0x80000049;
	[dreg:$0x1] =	wrdreg $0xFFFFFFFF  }
0xa7: {  	s28 =	simm.s32 $_size_execute0_lowered;
	s3 =	sadd.s32 s3, s5;
	[dreg:$0x0] =	wrdreg $0x0  }
0xa8: {  	s5 =	sshll.u32 s28, $0x1;
	[dreg:$0x2] =	wrdreg s3  }
0xa9: {  	[dreg:$0x3] =	wrdreg s5  }
0xaa: {  	[dreg:$0x4] =	wrdreg $0xC0  }
0xab: {  	_ =	task [dreg:s7], $0x5FFFF  }
0xac: {  	[dreg:$0x1] =	wrdreg $0xFFFFFFFF  }
0xad: {  	[dreg:$0x0] =	wrdreg $0x60  }
0xae: {  	[dreg:$0x2] =	wrdreg s2  }
0xaf: {  	[dreg:$0x3] =	wrdreg s24  }
0xb0: {  	[dreg:$0x4] =	wrdreg $0x9  }
0xb1: {  	_ =	task.clear_ibuf [dreg:s7], $0x5FFFF;
	_ =	strace $0x90000049  }
0xb2: {  	s29 =	simm.s32 $0x9;
	_ =	strace $0x8000004B  }
0xb3: {  	_ =	swait.ge [sflag:s29], $0x1  }
0xb4: {  	[sflag:s29] =	ssyncadd.s32 $0xFFFFFFFF  }
0xb5: {  	_ =	strace $0x9000004B  }
0xb6: {  	_ =	sfence  }
0xb7: {  	s30 =	sld [smem:$0x0];
	_ =	sdelay $0x2  }
0xb8: {  	s31 =	sshll.u32 s1, $0xD;
	s1 =	sshrl.u32 s1, $0x2  }
0xb9: {  	s3 =	sand.u32 $0x4000, s31;
	s1 =	sadd.s32 s1, s30  }
0xba: {  	s0 =	sor.u32 s3, s0;
	s1 =	sshll.u32 s1, $0x11  }
0xbb: {  	s0 =	sor.u32 s1, s0  }
0xbc: {  	s0 =	sadd.s32 $0x8F2B, s0  }
0xbd: {  	[sflag:s0] =	ssyncadd.remote.s32 $0x1  }
0xbe: {  	_ =	sfence.sel $0xFFFF  }
0xbf: {  	[dreg:$0x0] =	wrdreg $0xFFFFFFFF;
	(pc) =	sbr.abs _section_cstart, $3  }
0xc0: {  	[dreg:$0x1] =	wrdreg $0xFFFFFFFF  }
0xc1: {  	_ =	task.clear_ibuf [dreg:s7], $0x2FFFF;
	_ =	strace $0x9FFFFFFF  }
0xc2: {  	(tm) =	ssettm $0x7FFFFFFF  }
0xc3: {  	_ =	shalt  }
tec
execute0_lowered:
.L_overlay_start_1:
0x0: {  	(tag) =	ssettag $0x1  }
0x1: {  	s1 =	rddreg [dreg:$0x0];
	s0 =	srdreg.scid  }
0x2: {  	s3 =	rddreg [dreg:$0x1];
	s4 =	stileid.u32  }
0x3: {  	s2 =	simm.s32 $0x0;
	s11 =	simm.s32 $0x4000;
	s12 =	simm.s32 $0x8000  }
0x4: {  	v0 =	vimm.s32 $0xCFED8BA9;
	v1 =	vimm.s32 $0x47650321;
	s13 =	simm.s32 $0xC000;
	s14 =	simm.s32 $0x1;
	s15 =	simm.s32 $0x10000  }
0x5: {  	v2 =	vimm.s32 $0xDCFE98BA;
	v3 =	vimm.s32 $0x54761032;
	s16 =	simm.s32 $0x2;
	s17 =	simm.s32 $0x14000;
	s18 =	simm.s32 $0x3;
	v0 =	vunpack.c.l.s4.s8 v0  }
0x6: {  	s19 =	simm.s32 $0x5;
	s20 =	simm.s32 $0x4;
	s0 =	sand.u32 $0x1, s0;
	v1 =	vunpack.c.l.s4.s8 v1;
	v2 =	vunpack.c.l.s4.s8 v2;
	v3 =	vunpack.c.l.s4.s8 v3  }
0x7: {  	s21 =	simm.s32 $0x6;
	s4 =	sshll.u32 s4, $0x15;
	s5 =	sshll.u32 s0, $0x14;
	v0 =	vunpack.c.0.s8.s32 v0  }
0x8: {  	s22 =	simm.s32 $0x0;
	s0 =	ssub.s32 $0x2, s0;
	s4 =	sor.u32 s5, s4;
	v1 =	vunpack.c.0.s8.s32 v1;
	v2 =	vunpack.c.0.s8.s32 v2;
	v3 =	vunpack.c.0.s8.s32 v3  }
0x9: {  	[smem:$0x7FF] =	sst s2;
	s7 =	sshrl.u32 s0, $0x1;
	s5 =	sshrl.u32 s4, $0x3  }
0xa: {  	s6 =	sadd.s32 $0x800, s3;
	s0 =	ssub.s32 s0, s7;
	s5 =	sadd.s32 s1, s5;
	v0 =	vcombine.low v1, v0;
	v2 =	vcombine.low v3, v2  }
0xb: {  	_ =	strace $0x8000004A;
	s10 =	smax.u32 s0, $0x1;
	s31 =	sadd.s32 $0x800, s5  }
0xc: {  	s8 =	sadd.s32 $0x1000, s5;
	s9 =	sadd.s32 $0x1800, s5;
	[dreg:$0x3] =	wrdreg s31;
	v1 =	vand.u32 $0xF, v0;
	v2 =	vand.u32 $0xF, v2  }
.LBB2_1:
0xd: {  	[tilespmem:s2], [sflag:$0x1] =	stream.linear.gather [hbm4b:s5+s2], $0x4000, $0x38;
	[tilespmem:$0x18000] =	vst v63  }
0xe: {  	s0 =	rddreg [dreg:$0x3]  }
0xf: {  	[tilespmem:s11], [sflag:$0x2] =	stream.linear.gather [hbm4b:s0+s2], $0x4000, $0x38;
	[tilespmem:$0x18000] =	vst v63  }
0x10: {  	_ = 	snop  }
0x11: {  	[tilespmem:s12], [sflag:$0x3] =	stream.linear.gather [hbm4b:s8+s2], $0x4000, $0x38;
	[tilespmem:$0x18000] =	vst v63  }
0x12: {  	s23 =	simm.s32 $0x0  }
0x13: {  	[tilespmem:s13], [sflag:$0x4] =	stream.linear.gather [hbm4b:s9+s2], $0x4000, $0x38;
	[tilespmem:$0x18000] =	vst v63  }
.LBB2_2:
0x14: {  	_ =	swait.ge [sflag:s14], $0x4000  }
0x15: {  	p0 =	seq.s32 s23, $0x0;
	[sflag:s14] =	ssyncset.done $0x0  }
0x16: {  	s0 =	simm.s32 @!p0 $0x5;
	[sflag:s14] =	ssyncadd.s32 $0xFFFFC000  }
0x17: {  	_ =	swait.ge @!p0 [sflag:s0], $0x4000  }
0x18: {  	[sflag:s0] =	ssyncset.done @!p0 $0x0  }
0x19: {  	s3 =	simm.s32 $0x60;
	[sflag:s0] =	ssyncadd.s32 @!p0 $0xFFFFC000  }
0x1a: {  	s25 =	simm.s32 $0x0;
	v13 =	vld [tilespmem:s3+$0x50]  }
0x1b: {  	s7 =	sand.u32 $0x3FC0, s25;
	v11 =	vld [tilespmem:s3+$0xFFFFFFA0]  }
0x1c: {  	v14 =	vld [tilespmem:s7+$0x80]  }
0x1d: {  	v12 =	vld [tilespmem:s3+$0xFFFFFFB0]  }
0x1e: {  	v4 =	vld [tilespmem:s3+$0xFFFFFFC0];
	_ =	sdelay $0x2  }
0x1f: {  	v5 =	vperm.xlane v13, v1  }
0x20: {  	v15 =	vperm.xlane v11, v1;
	v8 =	vperm.xlane v14, v1  }
0x21: {  	v16 =	vperm.xlane v12, v1;
	v24 =	vperm.xlane v4, v1;
	v10 =	vmax.f32 v13, v5  }
0x22: {  	v5 =	vmin.f32 v13, v5;
	v18 =	vmax.f32 v14, v8;
	v19 =	vmin.f32 v14, v8  }
0x23: {  	v23 =	vmax.f32 v11, v15;
	v17 =	vperm.xlane v10, v2;
	v20 =	vperm.xlane v5, v2  }
0x24: {  	v3 =	vld [tilespmem:s3+$0xFFFFFFD0];
	v27 =	vmax.f32 v4, v24;
	v21 =	vperm.xlane v18, v2;
	v22 =	vperm.xlane v19, v2  }
0x25: {  	v6 =	vld [tilespmem:s3+$0xFFFFFFE0];
	v24 =	vmin.f32 v4, v24;
	v35 =	vperm.xlane v23, v2;
	v55 =	vperm.xlane v27, v2  }
0x26: {  	v7 =	vld [tilespmem:s3+$0xFFFFFFF0];
	v39 =	vperm.xlane v24, v2;
	v17 =	vmin.f32 v10, v17;
	v20 =	vmax.f32 v5, v20  }
0x27: {  	v8 =	vld [tilespmem:s3+$0x0];
	v18 =	vmin.f32 v18, v21;
	v19 =	vmax.f32 v19, v22;
	v22 =	vmax.f32 v12, v16  }
0x28: {  	v9 =	vld [tilespmem:s3+$0x10];
	v16 =	vmin.f32 v12, v16;
	v23 =	vmin.f32 v23, v35;
	v27 =	vmin.f32 v27, v55  }
0x29: {  	v24 =	vmax.f32 v24, v39;
	v17 =	vmax.f32 v17, v20;
	v20 =	vperm.xlane v3, v1  }
0x2a: {  	v18 =	vmax.f32 v18, v19;
	v37 =	vperm.xlane v22, v2;
	v38 =	vperm.xlane v16, v2  }
0x2b: {  	v10 =	vld [tilespmem:s3+$0x30];
	vm0 =	vge.f32 v13, v17;
	v17 =	vperm.xlane v6, v1;
	vm1 =	vge.f32 v14, v18  }
0x2c: {  	v5 =	vld [tilespmem:s3+$0x40];
	v19 =	vperm.xlane v8, v1;
	v18 =	vnsel vm0, $0x0, v13;
	v13 =	vperm.xlane v7, v1  }
0x2d: {  	v25 =	vnsel vm1, $0x0, v14;
	v14 =	vmin.f32 v11, v15;
	v15 =	vperm.xlane v9, v1  }
0x2e: {  	v28 =	vmax.f32 v3, v20;
	v20 =	vmin.f32 v3, v20;
	v37 =	vmin.f32 v22, v37  }
0x2f: {  	v16 =	vmax.f32 v16, v38;
	v29 =	vmax.f32 v6, v17;
	v17 =	vmin.f32 v6, v17  }
0x30: {  	v31 =	vmax.f32 v8, v19;
	v36 =	vperm.xlane v14, v2;
	v40 =	vperm.xlane v20, v2  }
0x31: {  	v19 =	vmin.f32 v8, v19;
	v21 =	vperm.xlane v10, v1;
	v26 =	vperm.xlane v5, v1  }
0x32: {  	v30 =	vmax.f32 v7, v13;
	v13 =	vmin.f32 v7, v13;
	v22 =	vperm.xlane v29, v2  }
0x33: {  	v32 =	vmax.f32 v9, v15;
	v41 =	vperm.xlane v17, v2;
	v57 =	vperm.xlane v31, v2  }
0x34: {  	v43 =	vperm.xlane v19, v2;
	v36 =	vmax.f32 v14, v36;
	v14 =	vperm.xlane v28, v2  }
0x35: {  	v15 =	vmin.f32 v9, v15;
	v56 =	vperm.xlane v30, v2;
	v42 =	vperm.xlane v13, v2  }
0x36: {  	v58 =	vperm.xlane v32, v2;
	v44 =	vperm.xlane v15, v2;
	v20 =	vmax.f32 v20, v40  }
0x37: {  	v33 =	vmax.f32 v10, v21;
	v21 =	vmin.f32 v10, v21;
	v34 =	vmax.f32 v5, v26  }
0x38: {  	v26 =	vmin.f32 v5, v26;
	v29 =	vmin.f32 v29, v22;
	v17 =	vmax.f32 v17, v41  }
0x39: {  	v31 =	vmin.f32 v31, v57;
	v62 =	vmax.f32 v19, v43;
	v19 =	vmax.f32 v27, v24  }
0x3a: {  	v28 =	vmin.f32 v28, v14;
	v14 =	vperm.xlane v33, v2;
	v59 =	vperm.xlane v21, v2  }
0x3b: {  	v22 =	vperm.xlane v34, v2;
	v60 =	vperm.xlane v26, v2;
	v30 =	vmin.f32 v30, v56  }
0x3c: {  	s31 =	simm.s32 $0x10060;
	v61 =	vmax.f32 v13, v42;
	v32 =	vmin.f32 v32, v58;
	v15 =	vmax.f32 v15, v44  }
0x3d: {  	[tilespmem:s31+$0x50] =	vst v18;
	v18 =	vmax.f32 v31, v62;
	v33 =	vmin.f32 v33, v14;
	v63 =	vmax.f32 v21, v59  }
0x3e: {  	s24 =	sshll.u32 s23, $0x10;
	v13 =	vmin.f32 v34, v22;
	v14 =	vmax.f32 v26, v60;
	v22 =	vmax.f32 v23, v36  }
0x3f: {  	s28 =	simm.s32 $0x3FB0;
	s29 =	simm.s32 $0x13FC0;
	s30 =	simm.s32 $0x3FC0;
	v23 =	vmax.f32 v37, v16;
	v21 =	vmax.f32 v28, v20;
	v20 =	vmax.f32 v29, v17  }
0x40: {  	s26 =	sor.u32 s4, s24;
	s0 =	simm.s32 $0x120;
	s3 =	simm.s32 $0x10060;
	[tilespmem:s7+$0x10080] =	vst v25;
	v17 =	vmax.f32 v30, v61;
	v16 =	vmax.f32 v32, v15;
	v15 =	vmax.f32 v33, v63  }
.LBB2_3:
0x41: {  	s25 =	sadd.s32 $0xC0, s25;
	v24 =	vld [tilespmem:s0+$0x50];
	vm0 =	vge.f32 v11, v22;
	vm1 =	vge.f32 v12, v23;
	v13 =	vmax.f32 v13, v14  }
0x42: {  	vm2 =	vge.f32 v4, v19;
	vm3 =	vge.f32 v3, v21;
	vm4 =	vge.f32 v6, v20;
	v14 =	vld [tilespmem:s0+$0xFFFFFFA0];
	s7 =	sand.u32 $0x3FC0, s25;
	p1 =	slt.u32 s25, $0x3F00  }
0x43: {  	vm5 =	vge.f32 v7, v17;
	vm6 =	vge.f32 v8, v18;
	vm7 =	vge.f32 v9, v16;
	v19 =	vld [tilespmem:s7+$0x80]  }
0x44: {  	vm8 =	vge.f32 v10, v15;
	v11 =	vnsel vm0, $0x0, v11;
	vm0 =	vge.f32 v5, v13;
	v16 =	vld [tilespmem:s0+$0xFFFFFFB0]  }
0x45: {  	v22 =	vnsel vm1, $0x0, v12;
	v12 =	vnsel vm2, $0x0, v4;
	v13 =	vnsel vm3, $0x0, v3;
	[tilespmem:s31+$0xFFFFFFA0] =	vst v11;
	v4 =	vld [tilespmem:s0+$0xFFFFFFC0]  }
0x46: {  	v17 =	vnsel vm4, $0x0, v6;
	v18 =	vnsel vm5, $0x0, v7;
	v3 =	vld [tilespmem:s0+$0xFFFFFFD0];
	v15 =	vperm.xlane v24, v1;
	[tilespmem:s31+$0xFFFFFFB0] =	vst v22  }
0x47: {  	v21 =	vnsel vm7, $0x0, v9;
	v20 =	vperm.xlane v14, v1;
	v6 =	vld [tilespmem:s0+$0xFFFFFFE0];
	[tilespmem:s31+$0xFFFFFFC0] =	vst v12;
	v12 =	vnsel vm6, $0x0, v8;
	v11 =	vmovc v14  }
0x48: {  	v7 =	vld [tilespmem:s0+$0xFFFFFFF0];
	v14 =	vperm.xlane v19, v1;
	v22 =	vmax.f32 v24, v15;
	[tilespmem:s31+$0xFFFFFFD0] =	vst v13;
	v13 =	vnsel vm8, $0x0, v10  }
0x49: {  	v15 =	vmin.f32 v24, v15;
	v23 =	vperm.xlane v16, v1;
	v8 =	vld [tilespmem:s0+$0x0];
	v25 =	vperm.xlane v22, v2;
	[tilespmem:s31+$0xFFFFFFE0] =	vst v17  }
0x4a: {  	v26 =	vperm.xlane v15, v2;
	v9 =	vld [tilespmem:s0+$0x10];
	v17 =	vmax.f32 v19, v14;
	v14 =	vmin.f32 v19, v14;
	[tilespmem:s31+$0xFFFFFFF0] =	vst v18  }
0x4b: {  	v18 =	vmax.f32 v11, v20;
	v27 =	vperm.xlane v17, v2;
	v28 =	vperm.xlane v14, v2;
	v10 =	vld [tilespmem:s0+$0x30];
	[tilespmem:s31+$0x0] =	vst v12  }
0x4c: {  	v29 =	vperm.xlane v4, v1;
	v22 =	vmin.f32 v22, v25;
	v15 =	vmax.f32 v15, v26;
	v30 =	vld [tilespmem:s0+$0x40];
	[tilespmem:s31+$0x10] =	vst v21  }
0x4d: {  	v15 =	vmax.f32 v22, v15;
	v17 =	vmin.f32 v17, v27;
	v14 =	vmax.f32 v14, v28;
	[tilespmem:s31+$0x30] =	vst v13  }
0x4e: {  	v12 =	vmovc v16;
	v13 =	vperm.xlane v3, v1;
	vm1 =	vge.f32 v24, v15;
	v14 =	vmax.f32 v17, v14  }
0x4f: {  	v15 =	vperm.xlane v6, v1;
	s31 =	sadd.s32 $0xC0, s31;
	vm2 =	vge.f32 v19, v14;
	v14 =	vnsel vm1, $0x0, v24  }
0x50: {  	v16 =	vperm.xlane v7, v1;
	v17 =	vperm.xlane v8, v1;
	v19 =	vnsel vm2, $0x0, v19;
	[tilespmem:s31+$0x50] =	vst v14  }
0x51: {  	v14 =	vmin.f32 v11, v20;
	v20 =	vperm.xlane v9, v1;
	[tilespmem:s7+$0x10080] =	vst v19;
	v19 =	vperm.xlane v10, v1  }
0x52: {  	v21 =	vmax.f32 v12, v23;
	v22 =	vmin.f32 v12, v23;
	v23 =	vperm.xlane v30, v1  }
0x53: {  	v25 =	vmin.f32 v4, v29;
	v24 =	vmax.f32 v4, v29;
	v26 =	vmax.f32 v3, v13  }
0x54: {  	v13 =	vmin.f32 v3, v13;
	v27 =	vmax.f32 v6, v15;
	v15 =	vmin.f32 v6, v15  }
0x55: {  	v28 =	vmax.f32 v7, v16;
	v16 =	vmin.f32 v7, v16;
	v29 =	vmax.f32 v8, v17  }
0x56: {  	v17 =	vmin.f32 v8, v17;
	v31 =	vmax.f32 v9, v20;
	v20 =	vmin.f32 v9, v20  }
0x57: {  	v32 =	vmax.f32 v10, v19;
	v19 =	vmin.f32 v10, v19;
	v33 =	vmax.f32 v30, v23  }
0x58: {  	v34 =	vperm.xlane v18, v2;
	v35 =	vperm.xlane v14, v2;
	v23 =	vmin.f32 v30, v23  }
0x59: {  	v38 =	vnsel vm0, $0x0, v5;
	v36 =	vperm.xlane v21, v2;
	v37 =	vperm.xlane v22, v2;
	v5 =	vmovc v30  }
0x5a: {  	v18 =	vmin.f32 v18, v34;
	v34 =	vperm.xlane v25, v2;
	v30 =	vperm.xlane v24, v2;
	[tilespmem:s3+$0x40] =	vst v38;
	s3 =	smov.u32 s31  }
0x5b: {  	v35 =	vmax.f32 v14, v35;
	v14 =	vperm.xlane v26, v2;
	v38 =	vperm.xlane v13, v2  }
0x5c: {  	v21 =	vmin.f32 v21, v36;
	v36 =	vperm.xlane v27, v2;
	v39 =	vperm.xlane v15, v2  }
0x5d: {  	v37 =	vmax.f32 v22, v37;
	v22 =	vperm.xlane v28, v2;
	v40 =	vperm.xlane v16, v2  }
0x5e: {  	v41 =	vperm.xlane v17, v2;
	v24 =	vmin.f32 v24, v30;
	v30 =	vperm.xlane v29, v2  }
0x5f: {  	v25 =	vmax.f32 v25, v34;
	v34 =	vperm.xlane v31, v2;
	v42 =	vperm.xlane v20, v2  }
0x60: {  	v43 =	vperm.xlane v19, v2;
	v26 =	vmin.f32 v26, v14;
	v14 =	vperm.xlane v32, v2  }
0x61: {  	v44 =	vperm.xlane v23, v2;
	v38 =	vmax.f32 v13, v38;
	v13 =	vperm.xlane v33, v2  }
0x62: {  	v27 =	vmin.f32 v27, v36;
	v15 =	vmax.f32 v15, v39;
	v28 =	vmin.f32 v28, v22  }
0x63: {  	v16 =	vmax.f32 v16, v40;
	v29 =	vmin.f32 v29, v30;
	v30 =	vmax.f32 v17, v41  }
.Ltmp0:
0x64: {  	v31 =	vmin.f32 v31, v34;
	v34 =	vmax.f32 v20, v42;
	v32 =	vmin.f32 v32, v14;
	(pc) =	sbr.rel @p1 .LBB2_3-.Ltmp0, $4  }
0x65: {  	v36 =	vmax.f32 v19, v43;
	v14 =	vmax.f32 v23, v44;
	v13 =	vmin.f32 v33, v13  }
0x66: {  	v22 =	vmax.f32 v18, v35;
	v19 =	vmax.f32 v24, v25;
	v23 =	vmax.f32 v21, v37  }
0x67: {  	v20 =	vmax.f32 v27, v15;
	v17 =	vmax.f32 v28, v16;
	v21 =	vmax.f32 v26, v38  }
0x68: {  	s0 =	sadd.s32 $0xC0, s0;
	v16 =	vmax.f32 v31, v34;
	v18 =	vmax.f32 v29, v30;
	v15 =	vmax.f32 v32, v36  }
0x69: {  	vm0 =	vge.f32 v11, v22  }
0x6a: {  	vm1 =	vge.f32 v12, v23;
	v11 =	vnsel vm0, $0x0, v11  }
0x6b: {  	vm8 =	vge.f32 v4, v19;
	v60 =	vnsel vm1, $0x0, v12;
	[tilespmem:s31+$0xFFFFFFA0] =	vst v11  }
0x6c: {  	vm9 =	vge.f32 v3, v21;
	v4 =	vnsel vm8, $0x0, v4;
	[tilespmem:s31+$0xFFFFFFB0] =	vst v60  }
0x6d: {  	vm10 =	vge.f32 v6, v20;
	v3 =	vnsel vm9, $0x0, v3;
	[tilespmem:s31+$0xFFFFFFC0] =	vst v4  }
0x6e: {  	vm12 =	vge.f32 v8, v18;
	v61 =	vnsel vm10, $0x0, v6;
	[tilespmem:s31+$0xFFFFFFD0] =	vst v3  }
0x6f: {  	vm11 =	vge.f32 v7, v17;
	v62 =	vnsel vm12, $0x0, v8;
	[tilespmem:s31+$0xFFFFFFE0] =	vst v61  }
0x70: {  	vm13 =	vge.f32 v9, v16;
	v3 =	vnsel vm11, $0x0, v7;
	[tilespmem:s31+$0x0] =	vst v62  }
0x71: {  	vm14 =	vge.f32 v10, v15;
	v63 =	vnsel vm13, $0x0, v9;
	[tilespmem:s31+$0xFFFFFFF0] =	vst v3;
	v3 =	vmax.f32 v13, v14  }
0x72: {  	[tilespmem:s31+$0x10] =	vst v63;
	vm15 =	vge.f32 v5, v3;
	v3 =	vnsel vm14, $0x0, v10  }
0x73: {  	[tilespmem:s31+$0x30] =	vst v3;
	v3 =	vnsel vm15, $0x0, v5  }
0x74: {  	[tilespmem:s3+$0x40] =	vst v3  }
.LBB2_5:
0x75: {  	v3 =	vld [tilespmem:s30+$0x0];
	_ =	sdelay $0x4  }
0x76: {  	v4 =	vperm.xlane v3, v0;
	_ =	sdelay $0x1  }
0x77: {  	v5 =	vmax.f32 v3, v4;
	v4 =	vmin.f32 v3, v4  }
0x78: {  	s28 =	sadd.s32 $0x10, s28;
	v6 =	vperm.xlane v5, v2;
	v7 =	vperm.xlane v4, v2  }
0x79: {  	p1 =	slt.u32 s28, $0x3FF0  }
.Ltmp1:
0x7a: {  	v5 =	vmin.f32 v5, v6;
	v4 =	vmax.f32 v4, v7;
	(pc) =	sbr.rel @p1 .LBB2_5-.Ltmp1, $4  }
0x7b: {  	v4 =	vmax.f32 v5, v4  }
0x7c: {  	vm0 =	vge.f32 v3, v4  }
0x7d: {  	v3 =	vnsel vm0, $0x0, v3  }
0x7e: {  	s30 =	sadd.s32 $0x10, s30;
	[tilespmem:s29+$0x0] =	vst v3;
	s29 =	sadd.s32 $0x10, s29  }
0x7f: {  	s25 =	sshrl.u32 s26, $0x3  }
0x80: {  	s3 =	sadd.s32 $0x10000, s24;
	s0 =	sadd.s32 s6, s25  }
0x81: {  	[hbm4b:s0+s2] =	stream.linear.scatter [tilespmem:s15], [sflag:$0x5], $0x4000, $0x38;
	[tilespmem:$0x18000] =	vst v63  }
0x82: {  	s0 =	sand.u32 $0xF0000, s3  }
0x83: {  	s0 =	sor.u32 s4, s0  }
0x84: {  	s0 =	sshrl.u32 s0, $0x3  }
0x85: {  	s0 =	sadd.s32 s1, s0  }
0x86: {  	[tilespmem:s2], [sflag:$0x1] =	stream.linear.gather [hbm4b:s0+s2], $0x4000, $0x38;
	[tilespmem:$0x18000] =	vst v63  }
0x87: {  	_ =	swait.ge [sflag:s16], $0x4000  }
0x88: {  	[sflag:s16] =	ssyncset.done $0x0  }
0x89: {  	s0 =	simm.s32 @!p0 $0x6;
	[sflag:s16] =	ssyncadd.s32 $0xFFFFC000  }
0x8a: {  	_ =	swait.ge @!p0 [sflag:s0], $0x4000  }
0x8b: {  	[sflag:s0] =	ssyncset.done @!p0 $0x0  }
0x8c: {  	s3 =	simm.s32 $0x4060;
	[sflag:s0] =	ssyncadd.s32 @!p0 $0xFFFFC000  }
0x8d: {  	s26 =	simm.s32 $0x0;
	v13 =	vld [tilespmem:s3+$0x50]  }
0x8e: {  	s7 =	sand.u32 $0x3FC0, s26;
	v11 =	vld [tilespmem:s3+$0xFFFFFFA0]  }
0x8f: {  	v14 =	vld [tilespmem:s7+$0x4080]  }
0x90: {  	v12 =	vld [tilespmem:s3+$0xFFFFFFB0]  }
0x91: {  	v4 =	vld [tilespmem:s3+$0xFFFFFFC0];
	_ =	sdelay $0x2  }
0x92: {  	v5 =	vperm.xlane v13, v1  }
0x93: {  	v15 =	vperm.xlane v11, v1;
	v8 =	vperm.xlane v14, v1  }
0x94: {  	v16 =	vperm.xlane v12, v1;
	v24 =	vperm.xlane v4, v1;
	v10 =	vmax.f32 v13, v5  }
0x95: {  	v5 =	vmin.f32 v13, v5;
	v18 =	vmax.f32 v14, v8;
	v19 =	vmin.f32 v14, v8  }
0x96: {  	v23 =	vmax.f32 v11, v15;
	v17 =	vperm.xlane v10, v2;
	v20 =	vperm.xlane v5, v2  }
0x97: {  	v3 =	vld [tilespmem:s3+$0xFFFFFFD0];
	v27 =	vmax.f32 v4, v24;
	v21 =	vperm.xlane v18, v2;
	v22 =	vperm.xlane v19, v2  }
0x98: {  	v6 =	vld [tilespmem:s3+$0xFFFFFFE0];
	v24 =	vmin.f32 v4, v24;
	v35 =	vperm.xlane v23, v2;
	v56 =	vperm.xlane v27, v2  }
0x99: {  	v7 =	vld [tilespmem:s3+$0xFFFFFFF0];
	v39 =	vperm.xlane v24, v2;
	v17 =	vmin.f32 v10, v17;
	v20 =	vmax.f32 v5, v20  }
0x9a: {  	v8 =	vld [tilespmem:s3+$0x0];
	v18 =	vmin.f32 v18, v21;
	v19 =	vmax.f32 v19, v22;
	v22 =	vmax.f32 v12, v16  }
0x9b: {  	v9 =	vld [tilespmem:s3+$0x10];
	v16 =	vmin.f32 v12, v16;
	v23 =	vmin.f32 v23, v35;
	v27 =	vmin.f32 v27, v56  }
0x9c: {  	v24 =	vmax.f32 v24, v39;
	v17 =	vmax.f32 v17, v20;
	v20 =	vperm.xlane v3, v1  }
0x9d: {  	v18 =	vmax.f32 v18, v19;
	v37 =	vperm.xlane v22, v2;
	v38 =	vperm.xlane v16, v2  }
0x9e: {  	v10 =	vld [tilespmem:s3+$0x30];
	vm0 =	vge.f32 v13, v17;
	v17 =	vperm.xlane v6, v1;
	vm1 =	vge.f32 v14, v18  }
0x9f: {  	v5 =	vld [tilespmem:s3+$0x40];
	v19 =	vperm.xlane v8, v1;
	v18 =	vnsel vm0, $0x0, v13;
	v13 =	vperm.xlane v7, v1  }
0xa0: {  	v25 =	vnsel vm1, $0x0, v14;
	v14 =	vmin.f32 v11, v15;
	v15 =	vperm.xlane v9, v1  }
0xa1: {  	v28 =	vmax.f32 v3, v20;
	v20 =	vmin.f32 v3, v20;
	v37 =	vmin.f32 v22, v37  }
0xa2: {  	v16 =	vmax.f32 v16, v38;
	v29 =	vmax.f32 v6, v17;
	v17 =	vmin.f32 v6, v17  }
0xa3: {  	v31 =	vmax.f32 v8, v19;
	v36 =	vperm.xlane v14, v2;
	v40 =	vperm.xlane v20, v2  }
0xa4: {  	v19 =	vmin.f32 v8, v19;
	v21 =	vperm.xlane v10, v1;
	v26 =	vperm.xlane v5, v1  }
0xa5: {  	v30 =	vmax.f32 v7, v13;
	v13 =	vmin.f32 v7, v13;
	v22 =	vperm.xlane v29, v2  }
0xa6: {  	v32 =	vmax.f32 v9, v15;
	v41 =	vperm.xlane v17, v2;
	v58 =	vperm.xlane v31, v2  }
0xa7: {  	v43 =	vperm.xlane v19, v2;
	v36 =	vmax.f32 v14, v36;
	v14 =	vperm.xlane v28, v2  }
0xa8: {  	v15 =	vmin.f32 v9, v15;
	v57 =	vperm.xlane v30, v2;
	v42 =	vperm.xlane v13, v2  }
0xa9: {  	v59 =	vperm.xlane v32, v2;
	v44 =	vperm.xlane v15, v2;
	v40 =	vmax.f32 v20, v40  }
0xaa: {  	v33 =	vmax.f32 v10, v21;
	v21 =	vmin.f32 v10, v21;
	v34 =	vmax.f32 v5, v26  }
0xab: {  	v26 =	vmin.f32 v5, v26;
	v29 =	vmin.f32 v29, v22;
	v17 =	vmax.f32 v17, v41  }
0xac: {  	v31 =	vmin.f32 v31, v58;
	v28 =	vmin.f32 v28, v14;
	v14 =	vperm.xlane v33, v2  }
0xad: {  	v62 =	vmax.f32 v19, v43;
	v20 =	vperm.xlane v21, v2;
	v22 =	vperm.xlane v34, v2  }
0xae: {  	v60 =	vperm.xlane v26, v2;
	v30 =	vmin.f32 v30, v57;
	v61 =	vmax.f32 v13, v42  }
0xaf: {  	s30 =	simm.s32 $0x14060;
	v32 =	vmin.f32 v32, v59;
	v15 =	vmax.f32 v15, v44;
	v19 =	vmax.f32 v29, v17  }
0xb0: {  	[tilespmem:s30+$0x50] =	vst v18;
	v18 =	vmax.f32 v31, v62;
	v17 =	vmax.f32 v30, v61;
	v33 =	vmin.f32 v33, v14  }
0xb1: {  	v63 =	vmax.f32 v21, v20;
	v13 =	vmin.f32 v34, v22;
	v14 =	vmax.f32 v26, v60  }
0xb2: {  	s28 =	simm.s32 $0x17FC0;
	v22 =	vmax.f32 v23, v36;
	v23 =	vmax.f32 v37, v16;
	v20 =	vmax.f32 v27, v24  }
0xb3: {  	s29 =	simm.s32 $0x7FC0;
	s31 =	simm.s32 $0x14060;
	s3 =	simm.s32 $0x4120;
	[tilespmem:s7+$0x14080] =	vst v25;
	v21 =	vmax.f32 v28, v40;
	v16 =	vmax.f32 v32, v15;
	v15 =	vmax.f32 v33, v63  }
.LBB2_7:
0xb4: {  	s26 =	sadd.s32 $0xC0, s26;
	v24 =	vld [tilespmem:s3+$0x50];
	vm0 =	vge.f32 v11, v22;
	vm1 =	vge.f32 v12, v23;
	v13 =	vmax.f32 v13, v14  }
0xb5: {  	vm2 =	vge.f32 v4, v20;
	vm3 =	vge.f32 v3, v21;
	vm4 =	vge.f32 v6, v19;
	v14 =	vld [tilespmem:s3+$0xFFFFFFA0];
	s0 =	sand.u32 $0x3FC0, s26;
	p0 =	slt.u32 s26, $0x3F00  }
0xb6: {  	vm5 =	vge.f32 v7, v17;
	vm6 =	vge.f32 v8, v18;
	vm7 =	vge.f32 v9, v16;
	v19 =	vld [tilespmem:s0+$0x4080]  }
0xb7: {  	vm8 =	vge.f32 v10, v15;
	v11 =	vnsel vm0, $0x0, v11;
	vm0 =	vge.f32 v5, v13;
	v16 =	vld [tilespmem:s3+$0xFFFFFFB0]  }
0xb8: {  	v22 =	vnsel vm1, $0x0, v12;
	v12 =	vnsel vm2, $0x0, v4;
	v13 =	vnsel vm3, $0x0, v3;
	[tilespmem:s30+$0xFFFFFFA0] =	vst v11;
	v4 =	vld [tilespmem:s3+$0xFFFFFFC0]  }
0xb9: {  	v17 =	vnsel vm4, $0x0, v6;
	v18 =	vnsel vm5, $0x0, v7;
	v3 =	vld [tilespmem:s3+$0xFFFFFFD0];
	v15 =	vperm.xlane v24, v1;
	[tilespmem:s30+$0xFFFFFFB0] =	vst v22  }
0xba: {  	v21 =	vnsel vm7, $0x0, v9;
	v20 =	vperm.xlane v14, v1;
	v6 =	vld [tilespmem:s3+$0xFFFFFFE0];
	[tilespmem:s30+$0xFFFFFFC0] =	vst v12;
	v12 =	vnsel vm6, $0x0, v8;
	v11 =	vmovc v14  }
0xbb: {  	v7 =	vld [tilespmem:s3+$0xFFFFFFF0];
	v14 =	vperm.xlane v19, v1;
	v22 =	vmax.f32 v24, v15;
	[tilespmem:s30+$0xFFFFFFD0] =	vst v13;
	v13 =	vnsel vm8, $0x0, v10  }
0xbc: {  	v15 =	vmin.f32 v24, v15;
	v23 =	vperm.xlane v16, v1;
	v8 =	vld [tilespmem:s3+$0x0];
	v25 =	vperm.xlane v22, v2;
	[tilespmem:s30+$0xFFFFFFE0] =	vst v17  }
0xbd: {  	v26 =	vperm.xlane v15, v2;
	v9 =	vld [tilespmem:s3+$0x10];
	v17 =	vmax.f32 v19, v14;
	v14 =	vmin.f32 v19, v14;
	[tilespmem:s30+$0xFFFFFFF0] =	vst v18  }
0xbe: {  	v18 =	vmax.f32 v11, v20;
	v27 =	vperm.xlane v17, v2;
	v28 =	vperm.xlane v14, v2;
	v10 =	vld [tilespmem:s3+$0x30];
	[tilespmem:s30+$0x0] =	vst v12  }
0xbf: {  	v29 =	vperm.xlane v4, v1;
	v22 =	vmin.f32 v22, v25;
	v15 =	vmax.f32 v15, v26;
	v30 =	vld [tilespmem:s3+$0x40];
	[tilespmem:s30+$0x10] =	vst v21  }
0xc0: {  	v15 =	vmax.f32 v22, v15;
	v17 =	vmin.f32 v17, v27;
	v14 =	vmax.f32 v14, v28;
	[tilespmem:s30+$0x30] =	vst v13  }
0xc1: {  	v12 =	vmovc v16;
	v13 =	vperm.xlane v3, v1;
	vm1 =	vge.f32 v24, v15;
	v14 =	vmax.f32 v17, v14  }
0xc2: {  	v15 =	vperm.xlane v6, v1;
	s30 =	sadd.s32 $0xC0, s30;
	vm2 =	vge.f32 v19, v14;
	v14 =	vnsel vm1, $0x0, v24  }
0xc3: {  	v16 =	vperm.xlane v7, v1;
	v17 =	vperm.xlane v8, v1;
	v19 =	vnsel vm2, $0x0, v19;
	[tilespmem:s30+$0x50] =	vst v14  }
0xc4: {  	v14 =	vmin.f32 v11, v20;
	v20 =	vperm.xlane v9, v1;
	[tilespmem:s0+$0x14080] =	vst v19;
	v19 =	vperm.xlane v10, v1;
	s0 =	simm.s32 $0x3FB0  }
0xc5: {  	v21 =	vmax.f32 v12, v23;
	v22 =	vmin.f32 v12, v23;
	v23 =	vperm.xlane v30, v1  }
0xc6: {  	v25 =	vmin.f32 v4, v29;
	v24 =	vmax.f32 v4, v29;
	v26 =	vmax.f32 v3, v13  }
0xc7: {  	v13 =	vmin.f32 v3, v13;
	v27 =	vmax.f32 v6, v15;
	v15 =	vmin.f32 v6, v15  }
0xc8: {  	v28 =	vmax.f32 v7, v16;
	v16 =	vmin.f32 v7, v16;
	v29 =	vmax.f32 v8, v17  }
0xc9: {  	v17 =	vmin.f32 v8, v17;
	v31 =	vmax.f32 v9, v20;
	v20 =	vmin.f32 v9, v20  }
0xca: {  	v32 =	vmax.f32 v10, v19;
	v19 =	vmin.f32 v10, v19;
	v33 =	vmax.f32 v30, v23  }
0xcb: {  	v34 =	vperm.xlane v18, v2;
	v35 =	vperm.xlane v14, v2;
	v23 =	vmin.f32 v30, v23  }
0xcc: {  	v38 =	vnsel vm0, $0x0, v5;
	v36 =	vperm.xlane v21, v2;
	v37 =	vperm.xlane v22, v2;
	v5 =	vmovc v30  }
0xcd: {  	v18 =	vmin.f32 v18, v34;
	v34 =	vperm.xlane v25, v2;
	v30 =	vperm.xlane v24, v2;
	[tilespmem:s31+$0x40] =	vst v38;
	s31 =	smov.u32 s30  }
0xce: {  	v35 =	vmax.f32 v14, v35;
	v14 =	vperm.xlane v26, v2;
	v38 =	vperm.xlane v13, v2  }
0xcf: {  	v21 =	vmin.f32 v21, v36;
	v36 =	vperm.xlane v27, v2;
	v39 =	vperm.xlane v15, v2  }
0xd0: {  	v37 =	vmax.f32 v22, v37;
	v22 =	vperm.xlane v28, v2;
	v40 =	vperm.xlane v16, v2  }
0xd1: {  	v41 =	vperm.xlane v17, v2;
	v24 =	vmin.f32 v24, v30;
	v30 =	vperm.xlane v29, v2  }
0xd2: {  	v25 =	vmax.f32 v25, v34;
	v34 =	vperm.xlane v31, v2;
	v42 =	vperm.xlane v20, v2  }
0xd3: {  	v43 =	vperm.xlane v19, v2;
	v26 =	vmin.f32 v26, v14;
	v14 =	vperm.xlane v32, v2  }
0xd4: {  	v44 =	vperm.xlane v23, v2;
	v38 =	vmax.f32 v13, v38;
	v13 =	vperm.xlane v33, v2  }
0xd5: {  	v27 =	vmin.f32 v27, v36;
	v15 =	vmax.f32 v15, v39;
	v28 =	vmin.f32 v28, v22  }
0xd6: {  	v16 =	vmax.f32 v16, v40;
	v29 =	vmin.f32 v29, v30;
	v30 =	vmax.f32 v17, v41  }
.Ltmp2:
0xd7: {  	v31 =	vmin.f32 v31, v34;
	v34 =	vmax.f32 v20, v42;
	v32 =	vmin.f32 v32, v14;
	(pc) =	sbr.rel @p0 .LBB2_7-.Ltmp2, $4  }
0xd8: {  	v36 =	vmax.f32 v19, v43;
	v14 =	vmax.f32 v23, v44;
	v13 =	vmin.f32 v33, v13  }
0xd9: {  	v22 =	vmax.f32 v18, v35;
	v20 =	vmax.f32 v24, v25;
	v23 =	vmax.f32 v21, v37  }
0xda: {  	v19 =	vmax.f32 v27, v15;
	v17 =	vmax.f32 v28, v16;
	v21 =	vmax.f32 v26, v38  }
0xdb: {  	s3 =	sadd.s32 $0xC0, s3;
	v16 =	vmax.f32 v31, v34;
	v18 =	vmax.f32 v29, v30;
	v15 =	vmax.f32 v32, v36  }
0xdc: {  	vm0 =	vge.f32 v11, v22  }
0xdd: {  	vm1 =	vge.f32 v12, v23;
	v11 =	vnsel vm0, $0x0, v11  }
0xde: {  	vm8 =	vge.f32 v4, v20;
	v60 =	vnsel vm1, $0x0, v12;
	[tilespmem:s30+$0xFFFFFFA0] =	vst v11  }
0xdf: {  	vm9 =	vge.f32 v3, v21;
	v4 =	vnsel vm8, $0x0, v4;
	[tilespmem:s30+$0xFFFFFFB0] =	vst v60  }
0xe0: {  	vm10 =	vge.f32 v6, v19;
	v3 =	vnsel vm9, $0x0, v3;
	[tilespmem:s30+$0xFFFFFFC0] =	vst v4  }
0xe1: {  	vm12 =	vge.f32 v8, v18;
	v61 =	vnsel vm10, $0x0, v6;
	[tilespmem:s30+$0xFFFFFFD0] =	vst v3  }
0xe2: {  	vm11 =	vge.f32 v7, v17;
	v62 =	vnsel vm12, $0x0, v8;
	[tilespmem:s30+$0xFFFFFFE0] =	vst v61  }
0xe3: {  	vm13 =	vge.f32 v9, v16;
	v3 =	vnsel vm11, $0x0, v7;
	[tilespmem:s30+$0x0] =	vst v62  }
0xe4: {  	vm14 =	vge.f32 v10, v15;
	v63 =	vnsel vm13, $0x0, v9;
	[tilespmem:s30+$0xFFFFFFF0] =	vst v3;
	v3 =	vmax.f32 v13, v14  }
0xe5: {  	[tilespmem:s30+$0x10] =	vst v63;
	vm15 =	vge.f32 v5, v3;
	v3 =	vnsel vm14, $0x0, v10  }
0xe6: {  	[tilespmem:s30+$0x30] =	vst v3;
	v3 =	vnsel vm15, $0x0, v5  }
0xe7: {  	[tilespmem:s31+$0x40] =	vst v3  }
.LBB2_9:
0xe8: {  	v3 =	vld [tilespmem:s29+$0x0];
	_ =	sdelay $0x4  }
0xe9: {  	v4 =	vperm.xlane v3, v0;
	_ =	sdelay $0x1  }
0xea: {  	v5 =	vmax.f32 v3, v4;
	v4 =	vmin.f32 v3, v4  }
0xeb: {  	s0 =	sadd.s32 $0x10, s0;
	v6 =	vperm.xlane v5, v2;
	v7 =	vperm.xlane v4, v2  }
0xec: {  	p0 =	slt.u32 s0, $0x3FF0  }
.Ltmp3:
0xed: {  	v5 =	vmin.f32 v5, v6;
	v4 =	vmax.f32 v4, v7;
	(pc) =	sbr.rel @p0 .LBB2_9-.Ltmp3, $4  }
0xee: {  	v4 =	vmax.f32 v5, v4  }
0xef: {  	vm0 =	vge.f32 v3, v4  }
0xf0: {  	v3 =	vnsel vm0, $0x0, v3  }
0xf1: {  	s29 =	sadd.s32 $0x10, s29;
	[tilespmem:s28+$0x0] =	vst v3;
	s28 =	sadd.s32 $0x10, s28  }
0xf2: {  	s25 =	sadd.s32 s25, s6  }
0xf3: {  	s26 =	sadd.s32 $0x14000, s24;
	s0 =	sadd.s32 $0x800, s25  }
0xf4: {  	[hbm4b:s0+s2] =	stream.linear.scatter [tilespmem:s17], [sflag:$0x6], $0x4000, $0x38;
	[tilespmem:$0x18000] =	vst v63  }
0xf5: {  	s0 =	sand.u32 $0xF4000, s26  }
0xf6: {  	s0 =	sor.u32 s4, s0  }
0xf7: {  	s0 =	sshrl.u32 s0, $0x3  }
0xf8: {  	s0 =	sadd.s32 s1, s0  }
0xf9: {  	[tilespmem:s11], [sflag:$0x2] =	stream.linear.gather [hbm4b:s0+s2], $0x4000, $0x38;
	[tilespmem:$0x18000] =	vst v63  }
0xfa: {  	_ =	swait.ge [sflag:s18], $0x4000  }
0xfb: {  	[sflag:s18] =	ssyncset.done $0x0  }
0xfc: {  	[sflag:s18] =	ssyncadd.s32 $0xFFFFC000  }
0xfd: {  	_ =	swait.ge [sflag:s19], $0x4000  }
0xfe: {  	[sflag:s19] =	ssyncset.done $0x0  }
0xff: {  	s3 =	simm.s32 $0x8060;
	[sflag:s19] =	ssyncadd.s32 $0xFFFFC000  }
0x100: {  	s26 =	simm.s32 $0x0;
	v13 =	vld [tilespmem:s3+$0x50]  }
0x101: {  	s31 =	sand.u32 $0x3FC0, s26;
	v11 =	vld [tilespmem:s3+$0xFFFFFFA0]  }
0x102: {  	v14 =	vld [tilespmem:s31+$0x8080]  }
0x103: {  	v12 =	vld [tilespmem:s3+$0xFFFFFFB0]  }
0x104: {  	v4 =	vld [tilespmem:s3+$0xFFFFFFC0];
	_ =	sdelay $0x2  }
0x105: {  	v5 =	vperm.xlane v13, v1  }
0x106: {  	v15 =	vperm.xlane v11, v1;
	v8 =	vperm.xlane v14, v1  }
0x107: {  	v16 =	vperm.xlane v12, v1;
	v24 =	vperm.xlane v4, v1;
	v10 =	vmax.f32 v13, v5  }
0x108: {  	v5 =	vmin.f32 v13, v5;
	v18 =	vmax.f32 v14, v8;
	v19 =	vmin.f32 v14, v8  }
0x109: {  	v23 =	vmax.f32 v11, v15;
	v17 =	vperm.xlane v10, v2;
	v20 =	vperm.xlane v5, v2  }
0x10a: {  	v3 =	vld [tilespmem:s3+$0xFFFFFFD0];
	v27 =	vmax.f32 v4, v24;
	v21 =	vperm.xlane v18, v2;
	v22 =	vperm.xlane v19, v2  }
0x10b: {  	v6 =	vld [tilespmem:s3+$0xFFFFFFE0];
	v24 =	vmin.f32 v4, v24;
	v35 =	vperm.xlane v23, v2;
	v56 =	vperm.xlane v27, v2  }
0x10c: {  	v7 =	vld [tilespmem:s3+$0xFFFFFFF0];
	v39 =	vperm.xlane v24, v2;
	v17 =	vmin.f32 v10, v17;
	v20 =	vmax.f32 v5, v20  }
0x10d: {  	v8 =	vld [tilespmem:s3+$0x0];
	v18 =	vmin.f32 v18, v21;
	v19 =	vmax.f32 v19, v22;
	v22 =	vmax.f32 v12, v16  }
0x10e: {  	v9 =	vld [tilespmem:s3+$0x10];
	v16 =	vmin.f32 v12, v16;
	v23 =	vmin.f32 v23, v35;
	v27 =	vmin.f32 v27, v56  }
0x10f: {  	v24 =	vmax.f32 v24, v39;
	v17 =	vmax.f32 v17, v20;
	v20 =	vperm.xlane v3, v1  }
0x110: {  	v18 =	vmax.f32 v18, v19;
	v37 =	vperm.xlane v22, v2;
	v38 =	vperm.xlane v16, v2  }
0x111: {  	v10 =	vld [tilespmem:s3+$0x30];
	vm0 =	vge.f32 v13, v17;
	v17 =	vperm.xlane v6, v1;
	vm1 =	vge.f32 v14, v18  }
0x112: {  	v5 =	vld [tilespmem:s3+$0x40];
	v19 =	vperm.xlane v8, v1;
	v18 =	vnsel vm0, $0x0, v13;
	v13 =	vperm.xlane v7, v1  }
0x113: {  	v25 =	vnsel vm1, $0x0, v14;
	v14 =	vmin.f32 v11, v15;
	v15 =	vperm.xlane v9, v1  }
0x114: {  	v28 =	vmax.f32 v3, v20;
	v20 =	vmin.f32 v3, v20;
	v37 =	vmin.f32 v22, v37  }
0x115: {  	v16 =	vmax.f32 v16, v38;
	v29 =	vmax.f32 v6, v17;
	v17 =	vmin.f32 v6, v17  }
0x116: {  	v31 =	vmax.f32 v8, v19;
	v36 =	vperm.xlane v14, v2;
	v40 =	vperm.xlane v20, v2  }
0x117: {  	v19 =	vmin.f32 v8, v19;
	v21 =	vperm.xlane v10, v1;
	v26 =	vperm.xlane v5, v1  }
0x118: {  	v30 =	vmax.f32 v7, v13;
	v13 =	vmin.f32 v7, v13;
	v22 =	vperm.xlane v29, v2  }
0x119: {  	v32 =	vmax.f32 v9, v15;
	v41 =	vperm.xlane v17, v2;
	v58 =	vperm.xlane v31, v2  }
0x11a: {  	v43 =	vperm.xlane v19, v2;
	v36 =	vmax.f32 v14, v36;
	v14 =	vperm.xlane v28, v2  }
0x11b: {  	v15 =	vmin.f32 v9, v15;
	v57 =	vperm.xlane v30, v2;
	v42 =	vperm.xlane v13, v2  }
0x11c: {  	v59 =	vperm.xlane v32, v2;
	v44 =	vperm.xlane v15, v2;
	v40 =	vmax.f32 v20, v40  }
0x11d: {  	v33 =	vmax.f32 v10, v21;
	v21 =	vmin.f32 v10, v21;
	v34 =	vmax.f32 v5, v26  }
0x11e: {  	v26 =	vmin.f32 v5, v26;
	v29 =	vmin.f32 v29, v22;
	v17 =	vmax.f32 v17, v41  }
0x11f: {  	v31 =	vmin.f32 v31, v58;
	v28 =	vmin.f32 v28, v14;
	v14 =	vperm.xlane v33, v2  }
0x120: {  	v62 =	vmax.f32 v19, v43;
	v20 =	vperm.xlane v21, v2;
	v22 =	vperm.xlane v34, v2  }
0x121: {  	v60 =	vperm.xlane v26, v2;
	v30 =	vmin.f32 v30, v57;
	v61 =	vmax.f32 v13, v42  }
0x122: {  	s29 =	simm.s32 $0x10060;
	v32 =	vmin.f32 v32, v59;
	v15 =	vmax.f32 v15, v44;
	v19 =	vmax.f32 v29, v17  }
0x123: {  	[tilespmem:s29+$0x50] =	vst v18;
	v18 =	vmax.f32 v31, v62;
	v17 =	vmax.f32 v30, v61;
	v33 =	vmin.f32 v33, v14  }
0x124: {  	v63 =	vmax.f32 v21, v20;
	v13 =	vmin.f32 v34, v22;
	v14 =	vmax.f32 v26, v60  }
0x125: {  	v22 =	vmax.f32 v23, v36;
	v23 =	vmax.f32 v37, v16;
	v20 =	vmax.f32 v27, v24  }
0x126: {  	s28 =	simm.s32 $0xBFC0;
	s30 =	simm.s32 $0x10060;
	s3 =	simm.s32 $0x8120;
	[tilespmem:s31+$0x10080] =	vst v25;
	v21 =	vmax.f32 v28, v40;
	v16 =	vmax.f32 v32, v15;
	v15 =	vmax.f32 v33, v63  }
.LBB2_11:
0x127: {  	s26 =	sadd.s32 $0xC0, s26;
	v24 =	vld [tilespmem:s3+$0x50];
	vm0 =	vge.f32 v11, v22;
	vm1 =	vge.f32 v12, v23;
	v13 =	vmax.f32 v13, v14  }
0x128: {  	vm2 =	vge.f32 v4, v20;
	vm3 =	vge.f32 v3, v21;
	vm4 =	vge.f32 v6, v19;
	v14 =	vld [tilespmem:s3+$0xFFFFFFA0];
	s0 =	sand.u32 $0x3FC0, s26;
	p0 =	slt.u32 s26, $0x3F00  }
0x129: {  	vm5 =	vge.f32 v7, v17;
	vm6 =	vge.f32 v8, v18;
	vm7 =	vge.f32 v9, v16;
	v19 =	vld [tilespmem:s0+$0x8080]  }
0x12a: {  	vm8 =	vge.f32 v10, v15;
	v11 =	vnsel vm0, $0x0, v11;
	vm0 =	vge.f32 v5, v13;
	v16 =	vld [tilespmem:s3+$0xFFFFFFB0]  }
0x12b: {  	v22 =	vnsel vm1, $0x0, v12;
	v12 =	vnsel vm2, $0x0, v4;
	v13 =	vnsel vm3, $0x0, v3;
	[tilespmem:s29+$0xFFFFFFA0] =	vst v11;
	v4 =	vld [tilespmem:s3+$0xFFFFFFC0]  }
0x12c: {  	v17 =	vnsel vm4, $0x0, v6;
	v18 =	vnsel vm5, $0x0, v7;
	v3 =	vld [tilespmem:s3+$0xFFFFFFD0];
	v15 =	vperm.xlane v24, v1;
	[tilespmem:s29+$0xFFFFFFB0] =	vst v22  }
0x12d: {  	v21 =	vnsel vm7, $0x0, v9;
	v20 =	vperm.xlane v14, v1;
	v6 =	vld [tilespmem:s3+$0xFFFFFFE0];
	[tilespmem:s29+$0xFFFFFFC0] =	vst v12;
	v12 =	vnsel vm6, $0x0, v8;
	v11 =	vmovc v14  }
0x12e: {  	v7 =	vld [tilespmem:s3+$0xFFFFFFF0];
	v14 =	vperm.xlane v19, v1;
	v22 =	vmax.f32 v24, v15;
	[tilespmem:s29+$0xFFFFFFD0] =	vst v13;
	v13 =	vnsel vm8, $0x0, v10  }
0x12f: {  	v15 =	vmin.f32 v24, v15;
	v23 =	vperm.xlane v16, v1;
	v8 =	vld [tilespmem:s3+$0x0];
	v25 =	vperm.xlane v22, v2;
	[tilespmem:s29+$0xFFFFFFE0] =	vst v17  }
0x130: {  	v26 =	vperm.xlane v15, v2;
	v9 =	vld [tilespmem:s3+$0x10];
	v17 =	vmax.f32 v19, v14;
	v14 =	vmin.f32 v19, v14;
	[tilespmem:s29+$0xFFFFFFF0] =	vst v18  }
0x131: {  	v18 =	vmax.f32 v11, v20;
	v27 =	vperm.xlane v17, v2;
	v28 =	vperm.xlane v14, v2;
	v10 =	vld [tilespmem:s3+$0x30];
	[tilespmem:s29+$0x0] =	vst v12  }
0x132: {  	v29 =	vperm.xlane v4, v1;
	v22 =	vmin.f32 v22, v25;
	v15 =	vmax.f32 v15, v26;
	v30 =	vld [tilespmem:s3+$0x40];
	[tilespmem:s29+$0x10] =	vst v21  }
0x133: {  	v15 =	vmax.f32 v22, v15;
	v17 =	vmin.f32 v17, v27;
	v14 =	vmax.f32 v14, v28;
	[tilespmem:s29+$0x30] =	vst v13  }
0x134: {  	v12 =	vmovc v16;
	v13 =	vperm.xlane v3, v1;
	vm1 =	vge.f32 v24, v15;
	v14 =	vmax.f32 v17, v14  }
0x135: {  	v15 =	vperm.xlane v6, v1;
	s29 =	sadd.s32 $0xC0, s29;
	vm2 =	vge.f32 v19, v14;
	v14 =	vnsel vm1, $0x0, v24  }
0x136: {  	v16 =	vperm.xlane v7, v1;
	v17 =	vperm.xlane v8, v1;
	v19 =	vnsel vm2, $0x0, v19;
	[tilespmem:s29+$0x50] =	vst v14  }
0x137: {  	s31 =	simm.s32 $0x13FC0;
	v14 =	vmin.f32 v11, v20;
	v20 =	vperm.xlane v9, v1;
	[tilespmem:s0+$0x10080] =	vst v19;
	v19 =	vperm.xlane v10, v1;
	s0 =	simm.s32 $0x3FB0  }
0x138: {  	v21 =	vmax.f32 v12, v23;
	v22 =	vmin.f32 v12, v23;
	v23 =	vperm.xlane v30, v1  }
0x139: {  	v25 =	vmin.f32 v4, v29;
	v24 =	vmax.f32 v4, v29;
	v26 =	vmax.f32 v3, v13  }
0x13a: {  	v13 =	vmin.f32 v3, v13;
	v27 =	vmax.f32 v6, v15;
	v15 =	vmin.f32 v6, v15  }
0x13b: {  	v28 =	vmax.f32 v7, v16;
	v16 =	vmin.f32 v7, v16;
	v29 =	vmax.f32 v8, v17  }
0x13c: {  	v17 =	vmin.f32 v8, v17;
	v31 =	vmax.f32 v9, v20;
	v20 =	vmin.f32 v9, v20  }
0x13d: {  	v32 =	vmax.f32 v10, v19;
	v19 =	vmin.f32 v10, v19;
	v33 =	vmax.f32 v30, v23  }
0x13e: {  	v34 =	vperm.xlane v18, v2;
	v35 =	vperm.xlane v14, v2;
	v23 =	vmin.f32 v30, v23  }
0x13f: {  	v38 =	vnsel vm0, $0x0, v5;
	v36 =	vperm.xlane v21, v2;
	v37 =	vperm.xlane v22, v2;
	v5 =	vmovc v30  }
0x140: {  	v18 =	vmin.f32 v18, v34;
	v34 =	vperm.xlane v25, v2;
	v30 =	vperm.xlane v24, v2;
	[tilespmem:s30+$0x40] =	vst v38;
	s30 =	smov.u32 s29  }
0x141: {  	v35 =	vmax.f32 v14, v35;
	v14 =	vperm.xlane v26, v2;
	v38 =	vperm.xlane v13, v2  }
0x142: {  	v21 =	vmin.f32 v21, v36;
	v36 =	vperm.xlane v27, v2;
	v39 =	vperm.xlane v15, v2  }
0x143: {  	v37 =	vmax.f32 v22, v37;
	v22 =	vperm.xlane v28, v2;
	v40 =	vperm.xlane v16, v2  }
0x144: {  	v41 =	vperm.xlane v17, v2;
	v24 =	vmin.f32 v24, v30;
	v30 =	vperm.xlane v29, v2  }
0x145: {  	v25 =	vmax.f32 v25, v34;
	v34 =	vperm.xlane v31, v2;
	v42 =	vperm.xlane v20, v2  }
0x146: {  	v43 =	vperm.xlane v19, v2;
	v26 =	vmin.f32 v26, v14;
	v14 =	vperm.xlane v32, v2  }
0x147: {  	v44 =	vperm.xlane v23, v2;
	v38 =	vmax.f32 v13, v38;
	v13 =	vperm.xlane v33, v2  }
0x148: {  	v27 =	vmin.f32 v27, v36;
	v15 =	vmax.f32 v15, v39;
	v28 =	vmin.f32 v28, v22  }
0x149: {  	v16 =	vmax.f32 v16, v40;
	v29 =	vmin.f32 v29, v30;
	v30 =	vmax.f32 v17, v41  }
.Ltmp4:
0x14a: {  	v31 =	vmin.f32 v31, v34;
	v34 =	vmax.f32 v20, v42;
	v32 =	vmin.f32 v32, v14;
	(pc) =	sbr.rel @p0 .LBB2_11-.Ltmp4, $4  }
0x14b: {  	v36 =	vmax.f32 v19, v43;
	v14 =	vmax.f32 v23, v44;
	v13 =	vmin.f32 v33, v13  }
0x14c: {  	v22 =	vmax.f32 v18, v35;
	v20 =	vmax.f32 v24, v25;
	v23 =	vmax.f32 v21, v37  }
0x14d: {  	v19 =	vmax.f32 v27, v15;
	v17 =	vmax.f32 v28, v16;
	v21 =	vmax.f32 v26, v38  }
0x14e: {  	s3 =	sadd.s32 $0xC0, s3;
	v16 =	vmax.f32 v31, v34;
	v18 =	vmax.f32 v29, v30;
	v15 =	vmax.f32 v32, v36  }
0x14f: {  	vm0 =	vge.f32 v11, v22  }
0x150: {  	vm1 =	vge.f32 v12, v23;
	v11 =	vnsel vm0, $0x0, v11  }
0x151: {  	vm8 =	vge.f32 v4, v20;
	v60 =	vnsel vm1, $0x0, v12;
	[tilespmem:s29+$0xFFFFFFA0] =	vst v11  }
0x152: {  	vm9 =	vge.f32 v3, v21;
	v4 =	vnsel vm8, $0x0, v4;
	[tilespmem:s29+$0xFFFFFFB0] =	vst v60  }
0x153: {  	vm10 =	vge.f32 v6, v19;
	v3 =	vnsel vm9, $0x0, v3;
	[tilespmem:s29+$0xFFFFFFC0] =	vst v4  }
0x154: {  	vm12 =	vge.f32 v8, v18;
	v61 =	vnsel vm10, $0x0, v6;
	[tilespmem:s29+$0xFFFFFFD0] =	vst v3  }
0x155: {  	vm11 =	vge.f32 v7, v17;
	v62 =	vnsel vm12, $0x0, v8;
	[tilespmem:s29+$0xFFFFFFE0] =	vst v61  }
0x156: {  	vm13 =	vge.f32 v9, v16;
	v3 =	vnsel vm11, $0x0, v7;
	[tilespmem:s29+$0x0] =	vst v62  }
0x157: {  	vm14 =	vge.f32 v10, v15;
	v63 =	vnsel vm13, $0x0, v9;
	[tilespmem:s29+$0xFFFFFFF0] =	vst v3;
	v3 =	vmax.f32 v13, v14  }
0x158: {  	[tilespmem:s29+$0x10] =	vst v63;
	vm15 =	vge.f32 v5, v3;
	v3 =	vnsel vm14, $0x0, v10  }
0x159: {  	[tilespmem:s29+$0x30] =	vst v3;
	v3 =	vnsel vm15, $0x0, v5  }
0x15a: {  	[tilespmem:s30+$0x40] =	vst v3  }
.LBB2_13:
0x15b: {  	v3 =	vld [tilespmem:s28+$0x0];
	_ =	sdelay $0x4  }
0x15c: {  	v4 =	vperm.xlane v3, v0;
	_ =	sdelay $0x1  }
0x15d: {  	v5 =	vmax.f32 v3, v4;
	v4 =	vmin.f32 v3, v4  }
0x15e: {  	s0 =	sadd.s32 $0x10, s0;
	v6 =	vperm.xlane v5, v2;
	v7 =	vperm.xlane v4, v2  }
0x15f: {  	p0 =	slt.u32 s0, $0x3FF0  }
.Ltmp5:
0x160: {  	v5 =	vmin.f32 v5, v6;
	v4 =	vmax.f32 v4, v7;
	(pc) =	sbr.rel @p0 .LBB2_13-.Ltmp5, $4  }
0x161: {  	v4 =	vmax.f32 v5, v4  }
0x162: {  	vm0 =	vge.f32 v3, v4  }
0x163: {  	v3 =	vnsel vm0, $0x0, v3  }
0x164: {  	s28 =	sadd.s32 $0x10, s28;
	[tilespmem:s31+$0x0] =	vst v3;
	s31 =	sadd.s32 $0x10, s31  }
0x165: {  	s0 =	sadd.s32 $0x1000, s25;
	s26 =	sadd.s32 $0x18000, s24  }
0x166: {  	[hbm4b:s0+s2] =	stream.linear.scatter [tilespmem:s15], [sflag:$0x5], $0x4000, $0x38;
	[tilespmem:$0x18000] =	vst v63  }
0x167: {  	s0 =	sand.u32 $0xF8000, s26  }
0x168: {  	s0 =	sor.u32 s4, s0  }
0x169: {  	s0 =	sshrl.u32 s0, $0x3  }
0x16a: {  	s0 =	sadd.s32 s1, s0  }
0x16b: {  	[tilespmem:s12], [sflag:$0x3] =	stream.linear.gather [hbm4b:s0+s2], $0x4000, $0x38;
	[tilespmem:$0x18000] =	vst v63  }
0x16c: {  	_ =	swait.ge [sflag:s20], $0x4000  }
0x16d: {  	[sflag:s20] =	ssyncset.done $0x0  }
0x16e: {  	[sflag:s20] =	ssyncadd.s32 $0xFFFFC000  }
0x16f: {  	_ =	swait.ge [sflag:s21], $0x4000  }
0x170: {  	[sflag:s21] =	ssyncset.done $0x0  }
0x171: {  	s3 =	simm.s32 $0xC060;
	[sflag:s21] =	ssyncadd.s32 $0xFFFFC000  }
0x172: {  	s26 =	simm.s32 $0x0;
	v13 =	vld [tilespmem:s3+$0x50]  }
0x173: {  	s31 =	sand.u32 $0x3FC0, s26;
	v11 =	vld [tilespmem:s3+$0xFFFFFFA0]  }
0x174: {  	v14 =	vld [tilespmem:s31+$0xC080]  }
0x175: {  	v12 =	vld [tilespmem:s3+$0xFFFFFFB0]  }
0x176: {  	v4 =	vld [tilespmem:s3+$0xFFFFFFC0];
	_ =	sdelay $0x2  }
0x177: {  	v5 =	vperm.xlane v13, v1  }
0x178: {  	v15 =	vperm.xlane v11, v1;
	v8 =	vperm.xlane v14, v1  }
0x179: {  	v16 =	vperm.xlane v12, v1;
	v24 =	vperm.xlane v4, v1;
	v10 =	vmax.f32 v13, v5  }
0x17a: {  	v5 =	vmin.f32 v13, v5;
	v18 =	vmax.f32 v14, v8;
	v19 =	vmin.f32 v14, v8  }
0x17b: {  	v23 =	vmax.f32 v11, v15;
	v17 =	vperm.xlane v10, v2;
	v20 =	vperm.xlane v5, v2  }
0x17c: {  	v3 =	vld [tilespmem:s3+$0xFFFFFFD0];
	v27 =	vmax.f32 v4, v24;
	v21 =	vperm.xlane v18, v2;
	v22 =	vperm.xlane v19, v2  }
0x17d: {  	v6 =	vld [tilespmem:s3+$0xFFFFFFE0];
	v24 =	vmin.f32 v4, v24;
	v35 =	vperm.xlane v23, v2;
	v56 =	vperm.xlane v27, v2  }
0x17e: {  	v7 =	vld [tilespmem:s3+$0xFFFFFFF0];
	v39 =	vperm.xlane v24, v2;
	v17 =	vmin.f32 v10, v17;
	v20 =	vmax.f32 v5, v20  }
0x17f: {  	v8 =	vld [tilespmem:s3+$0x0];
	v18 =	vmin.f32 v18, v21;
	v19 =	vmax.f32 v19, v22;
	v22 =	vmax.f32 v12, v16  }
0x180: {  	v9 =	vld [tilespmem:s3+$0x10];
	v16 =	vmin.f32 v12, v16;
	v23 =	vmin.f32 v23, v35;
	v27 =	vmin.f32 v27, v56  }
0x181: {  	v24 =	vmax.f32 v24, v39;
	v17 =	vmax.f32 v17, v20;
	v20 =	vperm.xlane v3, v1  }
0x182: {  	v18 =	vmax.f32 v18, v19;
	v37 =	vperm.xlane v22, v2;
	v38 =	vperm.xlane v16, v2  }
0x183: {  	v10 =	vld [tilespmem:s3+$0x30];
	vm0 =	vge.f32 v13, v17;
	v17 =	vperm.xlane v6, v1;
	vm1 =	vge.f32 v14, v18  }
0x184: {  	v5 =	vld [tilespmem:s3+$0x40];
	v19 =	vperm.xlane v8, v1;
	v18 =	vnsel vm0, $0x0, v13;
	v13 =	vperm.xlane v7, v1  }
0x185: {  	v25 =	vnsel vm1, $0x0, v14;
	v14 =	vmin.f32 v11, v15;
	v15 =	vperm.xlane v9, v1  }
0x186: {  	v28 =	vmax.f32 v3, v20;
	v20 =	vmin.f32 v3, v20;
	v37 =	vmin.f32 v22, v37  }
0x187: {  	v16 =	vmax.f32 v16, v38;
	v29 =	vmax.f32 v6, v17;
	v17 =	vmin.f32 v6, v17  }
0x188: {  	v31 =	vmax.f32 v8, v19;
	v36 =	vperm.xlane v14, v2;
	v40 =	vperm.xlane v20, v2  }
0x189: {  	v19 =	vmin.f32 v8, v19;
	v21 =	vperm.xlane v10, v1;
	v26 =	vperm.xlane v5, v1  }
0x18a: {  	v30 =	vmax.f32 v7, v13;
	v13 =	vmin.f32 v7, v13;
	v22 =	vperm.xlane v29, v2  }
0x18b: {  	v32 =	vmax.f32 v9, v15;
	v41 =	vperm.xlane v17, v2;
	v58 =	vperm.xlane v31, v2  }
0x18c: {  	v43 =	vperm.xlane v19, v2;
	v36 =	vmax.f32 v14, v36;
	v14 =	vperm.xlane v28, v2  }
0x18d: {  	v15 =	vmin.f32 v9, v15;
	v57 =	vperm.xlane v30, v2;
	v42 =	vperm.xlane v13, v2  }
0x18e: {  	v59 =	vperm.xlane v32, v2;
	v44 =	vperm.xlane v15, v2;
	v40 =	vmax.f32 v20, v40  }
0x18f: {  	v33 =	vmax.f32 v10, v21;
	v21 =	vmin.f32 v10, v21;
	v34 =	vmax.f32 v5, v26  }
0x190: {  	v26 =	vmin.f32 v5, v26;
	v29 =	vmin.f32 v29, v22;
	v17 =	vmax.f32 v17, v41  }
0x191: {  	v31 =	vmin.f32 v31, v58;
	v28 =	vmin.f32 v28, v14;
	v14 =	vperm.xlane v33, v2  }
0x192: {  	v62 =	vmax.f32 v19, v43;
	v20 =	vperm.xlane v21, v2;
	v22 =	vperm.xlane v34, v2  }
0x193: {  	v60 =	vperm.xlane v26, v2;
	v30 =	vmin.f32 v30, v57;
	v61 =	vmax.f32 v13, v42  }
0x194: {  	s29 =	simm.s32 $0x14060;
	v32 =	vmin.f32 v32, v59;
	v15 =	vmax.f32 v15, v44;
	v19 =	vmax.f32 v29, v17  }
0x195: {  	[tilespmem:s29+$0x50] =	vst v18;
	v18 =	vmax.f32 v31, v62;
	v17 =	vmax.f32 v30, v61;
	v33 =	vmin.f32 v33, v14  }
0x196: {  	v63 =	vmax.f32 v21, v20;
	v13 =	vmin.f32 v34, v22;
	v14 =	vmax.f32 v26, v60  }
0x197: {  	v22 =	vmax.f32 v23, v36;
	v23 =	vmax.f32 v37, v16;
	v20 =	vmax.f32 v27, v24  }
0x198: {  	s28 =	simm.s32 $0xFFC0;
	s30 =	simm.s32 $0x14060;
	s3 =	simm.s32 $0xC120;
	[tilespmem:s31+$0x14080] =	vst v25;
	v21 =	vmax.f32 v28, v40;
	v16 =	vmax.f32 v32, v15;
	v15 =	vmax.f32 v33, v63  }
.LBB2_15:
0x199: {  	s26 =	sadd.s32 $0xC0, s26;
	v24 =	vld [tilespmem:s3+$0x50];
	vm0 =	vge.f32 v11, v22;
	vm1 =	vge.f32 v12, v23;
	v13 =	vmax.f32 v13, v14  }
0x19a: {  	vm2 =	vge.f32 v4, v20;
	vm3 =	vge.f32 v3, v21;
	vm4 =	vge.f32 v6, v19;
	v14 =	vld [tilespmem:s3+$0xFFFFFFA0];
	s0 =	sand.u32 $0x3FC0, s26;
	p0 =	slt.u32 s26, $0x3F00  }
0x19b: {  	vm5 =	vge.f32 v7, v17;
	vm6 =	vge.f32 v8, v18;
	vm7 =	vge.f32 v9, v16;
	v19 =	vld [tilespmem:s0+$0xC080]  }
0x19c: {  	vm8 =	vge.f32 v10, v15;
	v11 =	vnsel vm0, $0x0, v11;
	vm0 =	vge.f32 v5, v13;
	v16 =	vld [tilespmem:s3+$0xFFFFFFB0]  }
0x19d: {  	v22 =	vnsel vm1, $0x0, v12;
	v12 =	vnsel vm2, $0x0, v4;
	v13 =	vnsel vm3, $0x0, v3;
	[tilespmem:s29+$0xFFFFFFA0] =	vst v11;
	v4 =	vld [tilespmem:s3+$0xFFFFFFC0]  }
0x19e: {  	v17 =	vnsel vm4, $0x0, v6;
	v18 =	vnsel vm5, $0x0, v7;
	v3 =	vld [tilespmem:s3+$0xFFFFFFD0];
	v15 =	vperm.xlane v24, v1;
	[tilespmem:s29+$0xFFFFFFB0] =	vst v22  }
0x19f: {  	v21 =	vnsel vm7, $0x0, v9;
	v20 =	vperm.xlane v14, v1;
	v6 =	vld [tilespmem:s3+$0xFFFFFFE0];
	[tilespmem:s29+$0xFFFFFFC0] =	vst v12;
	v12 =	vnsel vm6, $0x0, v8;
	v11 =	vmovc v14  }
0x1a0: {  	v7 =	vld [tilespmem:s3+$0xFFFFFFF0];
	v14 =	vperm.xlane v19, v1;
	v22 =	vmax.f32 v24, v15;
	[tilespmem:s29+$0xFFFFFFD0] =	vst v13;
	v13 =	vnsel vm8, $0x0, v10  }
0x1a1: {  	v15 =	vmin.f32 v24, v15;
	v23 =	vperm.xlane v16, v1;
	v8 =	vld [tilespmem:s3+$0x0];
	v25 =	vperm.xlane v22, v2;
	[tilespmem:s29+$0xFFFFFFE0] =	vst v17  }
0x1a2: {  	v26 =	vperm.xlane v15, v2;
	v9 =	vld [tilespmem:s3+$0x10];
	v17 =	vmax.f32 v19, v14;
	v14 =	vmin.f32 v19, v14;
	[tilespmem:s29+$0xFFFFFFF0] =	vst v18  }
0x1a3: {  	v18 =	vmax.f32 v11, v20;
	v27 =	vperm.xlane v17, v2;
	v28 =	vperm.xlane v14, v2;
	v10 =	vld [tilespmem:s3+$0x30];
	[tilespmem:s29+$0x0] =	vst v12  }
0x1a4: {  	v29 =	vperm.xlane v4, v1;
	v22 =	vmin.f32 v22, v25;
	v15 =	vmax.f32 v15, v26;
	v30 =	vld [tilespmem:s3+$0x40];
	[tilespmem:s29+$0x10] =	vst v21  }
0x1a5: {  	v15 =	vmax.f32 v22, v15;
	v17 =	vmin.f32 v17, v27;
	v14 =	vmax.f32 v14, v28;
	[tilespmem:s29+$0x30] =	vst v13  }
0x1a6: {  	v12 =	vmovc v16;
	v13 =	vperm.xlane v3, v1;
	vm1 =	vge.f32 v24, v15;
	v14 =	vmax.f32 v17, v14  }
0x1a7: {  	v15 =	vperm.xlane v6, v1;
	s29 =	sadd.s32 $0xC0, s29;
	vm2 =	vge.f32 v19, v14;
	v14 =	vnsel vm1, $0x0, v24  }
0x1a8: {  	v16 =	vperm.xlane v7, v1;
	v17 =	vperm.xlane v8, v1;
	v19 =	vnsel vm2, $0x0, v19;
	[tilespmem:s29+$0x50] =	vst v14  }
0x1a9: {  	s31 =	simm.s32 $0x17FC0;
	v14 =	vmin.f32 v11, v20;
	v20 =	vperm.xlane v9, v1;
	[tilespmem:s0+$0x14080] =	vst v19;
	v19 =	vperm.xlane v10, v1;
	s0 =	simm.s32 $0x3FB0  }
0x1aa: {  	v21 =	vmax.f32 v12, v23;
	v22 =	vmin.f32 v12, v23;
	v23 =	vperm.xlane v30, v1  }
0x1ab: {  	v25 =	vmin.f32 v4, v29;
	v24 =	vmax.f32 v4, v29;
	v26 =	vmax.f32 v3, v13  }
0x1ac: {  	v13 =	vmin.f32 v3, v13;
	v27 =	vmax.f32 v6, v15;
	v15 =	vmin.f32 v6, v15  }
0x1ad: {  	v28 =	vmax.f32 v7, v16;
	v16 =	vmin.f32 v7, v16;
	v29 =	vmax.f32 v8, v17  }
0x1ae: {  	v17 =	vmin.f32 v8, v17;
	v31 =	vmax.f32 v9, v20;
	v20 =	vmin.f32 v9, v20  }
0x1af: {  	v32 =	vmax.f32 v10, v19;
	v19 =	vmin.f32 v10, v19;
	v33 =	vmax.f32 v30, v23  }
0x1b0: {  	v34 =	vperm.xlane v18, v2;
	v35 =	vperm.xlane v14, v2;
	v23 =	vmin.f32 v30, v23  }
0x1b1: {  	v38 =	vnsel vm0, $0x0, v5;
	v36 =	vperm.xlane v21, v2;
	v37 =	vperm.xlane v22, v2;
	v5 =	vmovc v30  }
0x1b2: {  	v18 =	vmin.f32 v18, v34;
	v34 =	vperm.xlane v25, v2;
	v30 =	vperm.xlane v24, v2;
	[tilespmem:s30+$0x40] =	vst v38;
	s30 =	smov.u32 s29  }
0x1b3: {  	v35 =	vmax.f32 v14, v35;
	v14 =	vperm.xlane v26, v2;
	v38 =	vperm.xlane v13, v2  }
0x1b4: {  	v21 =	vmin.f32 v21, v36;
	v36 =	vperm.xlane v27, v2;
	v39 =	vperm.xlane v15, v2  }
0x1b5: {  	v37 =	vmax.f32 v22, v37;
	v22 =	vperm.xlane v28, v2;
	v40 =	vperm.xlane v16, v2  }
0x1b6: {  	v41 =	vperm.xlane v17, v2;
	v24 =	vmin.f32 v24, v30;
	v30 =	vperm.xlane v29, v2  }
0x1b7: {  	v25 =	vmax.f32 v25, v34;
	v34 =	vperm.xlane v31, v2;
	v42 =	vperm.xlane v20, v2  }
0x1b8: {  	v43 =	vperm.xlane v19, v2;
	v26 =	vmin.f32 v26, v14;
	v14 =	vperm.xlane v32, v2  }
0x1b9: {  	v44 =	vperm.xlane v23, v2;
	v38 =	vmax.f32 v13, v38;
	v13 =	vperm.xlane v33, v2  }
0x1ba: {  	v27 =	vmin.f32 v27, v36;
	v15 =	vmax.f32 v15, v39;
	v28 =	vmin.f32 v28, v22  }
0x1bb: {  	v16 =	vmax.f32 v16, v40;
	v29 =	vmin.f32 v29, v30;
	v30 =	vmax.f32 v17, v41  }
.Ltmp6:
0x1bc: {  	v31 =	vmin.f32 v31, v34;
	v34 =	vmax.f32 v20, v42;
	v32 =	vmin.f32 v32, v14;
	(pc) =	sbr.rel @p0 .LBB2_15-.Ltmp6, $4  }
0x1bd: {  	v36 =	vmax.f32 v19, v43;
	v14 =	vmax.f32 v23, v44;
	v13 =	vmin.f32 v33, v13  }
0x1be: {  	v22 =	vmax.f32 v18, v35;
	v20 =	vmax.f32 v24, v25;
	v23 =	vmax.f32 v21, v37  }
0x1bf: {  	v19 =	vmax.f32 v27, v15;
	v17 =	vmax.f32 v28, v16;
	v21 =	vmax.f32 v26, v38  }
0x1c0: {  	s3 =	sadd.s32 $0xC0, s3;
	v16 =	vmax.f32 v31, v34;
	v18 =	vmax.f32 v29, v30;
	v15 =	vmax.f32 v32, v36  }
0x1c1: {  	vm0 =	vge.f32 v11, v22  }
0x1c2: {  	vm1 =	vge.f32 v12, v23;
	v11 =	vnsel vm0, $0x0, v11  }
0x1c3: {  	vm8 =	vge.f32 v4, v20;
	v60 =	vnsel vm1, $0x0, v12;
	[tilespmem:s29+$0xFFFFFFA0] =	vst v11  }
0x1c4: {  	vm9 =	vge.f32 v3, v21;
	v4 =	vnsel vm8, $0x0, v4;
	[tilespmem:s29+$0xFFFFFFB0] =	vst v60  }
0x1c5: {  	vm10 =	vge.f32 v6, v19;
	v3 =	vnsel vm9, $0x0, v3;
	[tilespmem:s29+$0xFFFFFFC0] =	vst v4  }
0x1c6: {  	vm12 =	vge.f32 v8, v18;
	v61 =	vnsel vm10, $0x0, v6;
	[tilespmem:s29+$0xFFFFFFD0] =	vst v3  }
0x1c7: {  	vm11 =	vge.f32 v7, v17;
	v62 =	vnsel vm12, $0x0, v8;
	[tilespmem:s29+$0xFFFFFFE0] =	vst v61  }
0x1c8: {  	vm13 =	vge.f32 v9, v16;
	v3 =	vnsel vm11, $0x0, v7;
	[tilespmem:s29+$0x0] =	vst v62  }
0x1c9: {  	vm14 =	vge.f32 v10, v15;
	v63 =	vnsel vm13, $0x0, v9;
	[tilespmem:s29+$0xFFFFFFF0] =	vst v3;
	v3 =	vmax.f32 v13, v14  }
0x1ca: {  	[tilespmem:s29+$0x10] =	vst v63;
	vm15 =	vge.f32 v5, v3;
	v3 =	vnsel vm14, $0x0, v10  }
0x1cb: {  	[tilespmem:s29+$0x30] =	vst v3;
	v3 =	vnsel vm15, $0x0, v5  }
0x1cc: {  	[tilespmem:s30+$0x40] =	vst v3  }
.LBB2_17:
0x1cd: {  	v3 =	vld [tilespmem:s28+$0x0];
	_ =	sdelay $0x4  }
0x1ce: {  	v4 =	vperm.xlane v3, v0;
	_ =	sdelay $0x1  }
0x1cf: {  	v5 =	vmax.f32 v3, v4;
	v4 =	vmin.f32 v3, v4  }
0x1d0: {  	s0 =	sadd.s32 $0x10, s0;
	v6 =	vperm.xlane v5, v2;
	v7 =	vperm.xlane v4, v2  }
0x1d1: {  	p0 =	slt.u32 s0, $0x3FF0  }
.Ltmp7:
0x1d2: {  	v5 =	vmin.f32 v5, v6;
	v4 =	vmax.f32 v4, v7;
	(pc) =	sbr.rel @p0 .LBB2_17-.Ltmp7, $4  }
0x1d3: {  	v4 =	vmax.f32 v5, v4  }
0x1d4: {  	vm0 =	vge.f32 v3, v4  }
0x1d5: {  	v3 =	vnsel vm0, $0x0, v3  }
0x1d6: {  	s28 =	sadd.s32 $0x10, s28;
	[tilespmem:s31+$0x0] =	vst v3;
	s31 =	sadd.s32 $0x10, s31  }
0x1d7: {  	s0 =	sadd.s32 $0x1800, s25;
	s23 =	sadd.s32 $0x1, s23  }
0x1d8: {  	[hbm4b:s0+s2] =	stream.linear.scatter [tilespmem:s17], [sflag:$0x6], $0x4000, $0x38;
	[tilespmem:$0x18000] =	vst v63  }
0x1d9: {  	s31 =	sadd.s32 $0x1C000, s24;
	p0 =	sne.s32 s23, $0x10  }
.Ltmp8:
0x1da: {  	s0 =	sand.u32 $0xFC000, s31;
	(pc) =	sbr.rel @p0 .LBB2_2-.Ltmp8, $4  }
0x1db: {  	s0 =	sor.u32 s4, s0  }
0x1dc: {  	s0 =	sshrl.u32 s0, $0x3  }
0x1dd: {  	s0 =	sadd.s32 s1, s0  }
0x1de: {  	[tilespmem:s13], [sflag:$0x4] =	stream.linear.gather [hbm4b:s0+s2], $0x4000, $0x38;
	[tilespmem:$0x18000] =	vst v63  }
0x1df: {  	_ =	swait.ge [sflag:s14], $0x4000  }
0x1e0: {  	[sflag:s14] =	ssyncset.done $0x0  }
0x1e1: {  	[sflag:s14] =	ssyncadd.s32 $0xFFFFC000  }
0x1e2: {  	_ =	swait.ge [sflag:s16], $0x4000  }
0x1e3: {  	[sflag:s16] =	ssyncset.done $0x0  }
0x1e4: {  	[sflag:s16] =	ssyncadd.s32 $0xFFFFC000  }
0x1e5: {  	_ =	swait.ge [sflag:s18], $0x4000  }
0x1e6: {  	[sflag:s18] =	ssyncset.done $0x0  }
0x1e7: {  	[sflag:s18] =	ssyncadd.s32 $0xFFFFC000  }
0x1e8: {  	_ =	swait.ge [sflag:s20], $0x4000  }
0x1e9: {  	[sflag:s20] =	ssyncset.done $0x0  }
0x1ea: {  	s22 =	sadd.s32 $0x1, s22;
	[sflag:s20] =	ssyncadd.s32 $0xFFFFC000  }
0x1eb: {  	p0 =	sne.s32 s22, s10;
	_ =	swait.ge [sflag:s19], $0x4000  }
.Ltmp9:
0x1ec: {  	[sflag:s19] =	ssyncset.done $0x0;
	(pc) =	sbr.rel @p0 .LBB2_1-.Ltmp9, $4  }
0x1ed: {  	[sflag:s19] =	ssyncadd.s32 $0xFFFFC000  }
0x1ee: {  	_ =	swait.ge [sflag:s21], $0x4000  }
0x1ef: {  	[sflag:s21] =	ssyncset.done $0x0  }
0x1f0: {  	[sflag:s21] =	ssyncadd.s32 $0xFFFFC000  }
0x1f1: {  	_ =	sfence.sel $0x180000  }
0x1f2: {  	[bflag:$0x0] =	sbarrier.arrive $0xFFFF  }
0x1f3: {  	_ =	strace $0x9000004A  }
0x1f4: {  	s0 =	stileid.u32;
	[bflag:$0x2] =	sbarrier.arrive $0xFFFF  }
0x1f5: {  	p0 =	sne.s32 s0, $0x0;
	s0 =	rddreg [dreg:$0x2]  }
0x1f6: {  	s0 =	sadd.s32 @!p0 $0x100000, s0  }
0x1f7: {  	[sflag:s0] =	ssyncadd.tile.s32 @!p0 $0x1;
	_ =	shalt  }
.Lfunc_end2:
_tile_overlayer_lowered:
.L_overlay_start_2:
0x1f8: {  	(tag) =	ssettag $0x2  }
0x1f9: {  	s0 =	rddreg [dreg:$0x0];
	s2 =	stileid.u32  }
0x1fa: {  	s1 =	rddreg [dreg:$0x1];
	p0 =	sne.s32 s2, $0x0  }
0x1fb: {  	s3 =	rddreg [dreg:$0x2];
	[bflag:$0x3] =	sbarrier.arrive $0xFFFF;
	s2 =	simm.s32 @!p0 $0x1C07  }
0x1fc: {  	[timem:s3], [sflag:s2] =	dma.local @!p0 [hbm:s0], s1  }
0x1fd: {  	s0 =	simm.s32 @!p0 $0x7  }
0x1fe: {  	_ =	swait.ge @!p0 [sflag:s0], s1  }
0x1ff: {  	s1 =	ssub.s32 @!p0 $0x0, s1;
	[sflag:s0] =	ssyncset.done @!p0 $0x0  }
0x200: {  	[sflag:s0] =	ssyncadd.s32 @!p0 s1  }
0x201: {  	[bflag:$0x3] =	sbarrier.arrive $0xFFFF  }
0x202: {  	_ =	shalt  }

// kernel: sparse-core-data-format-call.cloned.1.call-start
scs
called_computation_lowered:
.L_overlay_start_0:
0x0: {  	s2 =	sld [smem:$0x3FD9]  }
0x1: {  	s3 =	sld [smem:$0x3FFE];
	_ =	sdelay $0x1  }
0x2: {  	s1 =	srdreg.scid  }
0x3: {  	s0 =	sand.u32 $0x1, s1  }
0x4: {  	s19 =	sshll.u32 s0, $0xA;
	s2 =	sadd.s32 s3, s2  }
0x5: {  	s2 =	sadd.s32 s2, s19  }
0x6: {  	[smem:$0x3FC7] =	sst s2  }
0x7: {  	_ = 	snop  }
0x8: {  	s2 =	sld [smem:$0x3FC9]  }
0x9: {  	s20 =	sld [smem:$0x3FD0];
	(tm) =	ssettm $0x1  }
0xa: {  	s4 =	sld [smem:$0x3FFB];
	_ =	sdelay $0x3  }
0xb: {  	_ =	strace s4  }
0xc: {  	s4 =	sld [smem:$0x3FFC];
	_ =	sdelay $0x3  }
0xd: {  	_ =	strace s4  }
0xe: {  	s4 =	sld [smem:$0x3FFD];
	_ =	sdelay $0x3  }
0xf: {  	_ =	strace s4  }
0x10: {  	_ =	strace $0x8FFFFFFF  }
0x11: {  	s21 =	sld [smem:$0x3FDB];
	_ =	sdelay $0x1  }
0x12: {  	s5 =	simm.s32 $_scs_section_size  }
0x13: {  	s6 =	simm.s32 $_size__tile_overlayer_lowered;
	s7 =	simm.s32 $_tile_overlayer_lowered  }
0x14: {  	s24 =	simm.s32 $0x1BFF;
	s23 =	sshll.u32 s7, $0x1;
	s4 =	sadd.s32 s5, s21  }
0x15: {  	s8 =	simm.s32 $0x0;
	s22 =	sshll.u32 s6, $0x1;
	s6 =	sadd.s32 s23, s4  }
0x16: {  	[timem:s8], [sflag:s24] =	dma.local [hbm:s6], s22  }
0x17: {  	_ =	swait.ge [sflag:s24], s22  }
0x18: {  	s5 =	ssub.s32 $0x0, s22;
	[sflag:s24] =	ssyncset.done $0x0  }
0x19: {  	[sflag:s24] =	ssyncadd.s32 s5;
	_ =	sdelay $0x1  }
0x1a: {  	s25 =	simm.s32 $0x1B8B  }
0x1b: {  	_ =	swait.ge [sflag:s25], $0x1  }
0x1c: {  	[sflag:s25] =	ssyncset.done $0x0  }
0x1d: {  	s26 =	simm.s32 $0x1B8E;
	[sflag:s25] =	ssyncadd.s32 $0xFFFFFFFF  }
0x1e: {  	s27 =	simm.s32 $execute0_lowered;
	[smem:$0x3FD2] =	sst s26  }
0x1f: {  	s5 =	sshll.u32 s27, $0x1;
	_ =	strace $0x80000046;
	[dreg:$0x1] =	wrdreg $0xFFFFFFFF  }
0x20: {  	s28 =	simm.s32 $_size_execute0_lowered;
	s4 =	sadd.s32 s4, s5;
	[dreg:$0x0] =	wrdreg $0x0  }
0x21: {  	s5 =	sshll.u32 s28, $0x1;
	[dreg:$0x2] =	wrdreg s4  }
0x22: {  	[dreg:$0x3] =	wrdreg s5  }
0x23: {  	[dreg:$0x4] =	wrdreg $0xC0  }
0x24: {  	_ =	task [dreg:s8], $0x5FFFF  }
0x25: {  	[dreg:$0x1] =	wrdreg $0xFFFFFFFF  }
0x26: {  	[dreg:$0x0] =	wrdreg $0x60  }
0x27: {  	[dreg:$0x2] =	wrdreg s2  }
0x28: {  	[dreg:$0x3] =	wrdreg s20  }
0x29: {  	[dreg:$0x4] =	wrdreg $0x9  }
0x2a: {  	_ =	task.clear_ibuf [dreg:s8], $0x5FFFF;
	_ =	strace $0x90000046  }
0x2b: {  	s29 =	simm.s32 $0x9;
	_ =	strace $0x80000048  }
0x2c: {  	_ =	swait.ge [sflag:s29], $0x1  }
0x2d: {  	[sflag:s29] =	ssyncadd.s32 $0xFFFFFFFF  }
0x2e: {  	_ =	strace $0x90000048  }
0x2f: {  	_ =	sfence  }
0x30: {  	s30 =	sld [smem:$0x0];
	_ =	sdelay $0x2  }
0x31: {  	s31 =	sshll.u32 s1, $0xD;
	s1 =	sshrl.u32 s1, $0x2  }
0x32: {  	s3 =	sand.u32 $0x4000, s31;
	s1 =	sadd.s32 s1, s30  }
0x33: {  	s0 =	sor.u32 s3, s0;
	s1 =	sshll.u32 s1, $0x11  }
0x34: {  	s0 =	sor.u32 s1, s0  }
0x35: {  	s0 =	sadd.s32 $0x8F2B, s0  }
0x36: {  	[sflag:s0] =	ssyncadd.remote.s32 $0x1  }
0x37: {  	_ =	sfence.sel $0xFFFF  }
0x38: {  	[dreg:$0x0] =	wrdreg $0xFFFFFFFF;
	(pc) =	sbr.abs _section_cstart, $3  }
0x39: {  	[dreg:$0x1] =	wrdreg $0xFFFFFFFF  }
0x3a: {  	_ =	task.clear_ibuf [dreg:s8], $0x2FFFF;
	_ =	strace $0x9FFFFFFF  }
0x3b: {  	(tm) =	ssettm $0x7FFFFFFF  }
tec
execute0_lowered:
.L_overlay_start_1:
0x0: {  	(tag) =	ssettag $0x1  }
0x1: {  	s2 =	rddreg [dreg:$0x0]  }
0x2: {  	s3 =	rddreg [dreg:$0x1]  }
0x3: {  	s0 =	rddreg [dreg:$0x2];
	_ =	strace $0x80000047  }
0x4: {  	s4 =	srdreg.scid;
	s1 =	stileid.u32;
	s6 =	simm.s32 $0x2  }
.Ltmp0:
0x5: {  	s11 =	simm.s32 $0x0;
	p0 =	por $0x0, $0x0;
	(pc) =	sbr.rel .LBB1_1-.Ltmp0, $4  }
0x6: {  	s7 =	simm.s32 $0x1000;
	s12 =	simm.s32 $0x0;
	s5 =	sshll.u32 s4, $0x4  }
0x7: {  	s9 =	simm.s32 $0x0;
	s4 =	simm.s32 $0x1;
	s5 =	sand.u32 $0x10, s5  }
0x8: {  	s8 =	simm.s32 $0x0;
	[sflag:s4] =	ssyncpa.u1 $0x0;
	s5 =	sor.u32 s1, s5  }
0x9: {  	[sflag:s6] =	ssyncpa.u1 $0x0;
	s6 =	simm.s32 $0x800;
	s10 =	smov.u32 s5  }
.LBB1_7:
0xa: {  	s13 =	sadd.s32 $0x10, s9  }
0xb: {  	s11 =	sadd.s32 $0x20, s10;
	s15 =	smov.u32 s10;
	p2 =	sgt.s32 s13, $0x1F  }
0xc: {  	p1 =	slt.u32 s8, $0x2;
	s15 =	smov.u32 @p2 s11  }
0xd: {  	s8 =	sadd.s32 $0x1, s8;
	s13 =	simm.s32 @p2 $0x0;
	p2 =	sgt.s32 s15, $0x3FF  }
0xe: {  	s15 =	smov.u32 @p2 s5;
	p2 =	sne.s32 s8, $0x42  }
.Ltmp1:
0xf: {  	_ = 	snop;
	(pc) =	sbr.rel @!p2 .LBB1_8-.Ltmp1, $4  }
0x10: {  	s14 =	simm.s32 @!p1 $0x2  }
0x11: {  	s12 =	smov.u32 s10;
	_ =	swait.ge @!p1 [sflag:s14], $0x4000  }
0x12: {  	p0 =	por !p0, !p0;
	s11 =	smov.u32 s9;
	[sflag:s14] =	ssyncset.done @!p1 $0x0  }
0x13: {  	s9 =	smov.u32 s13;
	[sflag:s14] =	ssyncadd.s32 @!p1 $0xFFFFC000;
	s10 =	smov.u32 s15  }
.LBB1_1:
0x14: {  	p1 =	sgt.u32 s8, $0x3F  }
0x15: {  	s13 =	sxor.u32 @!p1 $0xFFFFFFFF, s8;
	s14 =	sshll.u32 @!p1 s10, $0xC  }
0x16: {  	s15 =	sshll.u32 @!p1 s9, $0x7;
	s13 =	sshll.u32 @!p1 s13, $0xE;
	s14 =	sadd.s32 @!p1 s2, s14  }
0x17: {  	s13 =	sand.u32 @!p1 $0x4000, s13;
	s14 =	sadd.s32 @!p1 s15, s14;
	s15 =	simm.s32 @!p1 $0x0  }
0x18: {  	[tilespmem:s13], [sflag:$0x1] =	stream.linear.gather @!p1 [hbm4b:s14+s15], $0x4000, $0x38;
	[tilespmem:$0x10000] =	vst v63  }
0x19: {  	p1 =	seq.s32 s8, $0x0  }
0x1a: {  	p2 =	seq.s32 @!p1 s8, $0x41  }
0x1b: {  	p1 =	por p1, p2  }
.Ltmp2:
0x1c: {  	_ = 	snop;
	(pc) =	sbr.rel @p1 .LBB1_7-.Ltmp2, $1  }
0x1d: {  	_ =	sdelay $0x3  }
0x1e: {  	s13 =	simm.s32 $0x1;
	_ =	swait.ge [sflag:s4], $0x4000;
	s16 =	sshll.u32 s8, $0xE  }
0x1f: {  	s13 =	simm.s32 @!p0 $0x0;
	[sflag:s4] =	ssyncset.done $0x0;
	s31 =	sand.u32 $0x4000, s16  }
0x20: {  	s16 =	simm.s32 $0x0;
	s14 =	sshll.u32 s13, $0xE;
	[sflag:s4] =	ssyncadd.s32 $0xFFFFC000  }
0x21: {  	s13 =	sor.u32 $0x8040, s14;
	s15 =	sor.u32 $0x40, s14;
	s14 =	sor.u32 $0x8000, s31  }
.LBB1_3:
0x22: {  	v0 =	vmov s15;
	_ =	sdelay $0x3  }
0x23: {  	s18 =	simm.s32 $0x0  }
0x24: {  	v6 =	vld.idx.msk [tilespmem:v0+s18+$0x30 ss:$0x1], $0xffff  }
0x25: {  	v7 =	vld.idx.msk [tilespmem:v0+s18+$0xFFFFFFC0 ss:$0x1], $0xffff  }
0x26: {  	v5 =	vld.idx.msk [tilespmem:v0+s18+$0xFFFFFFD0 ss:$0x1], $0xffff  }
0x27: {  	v4 =	vld.idx.msk [tilespmem:v0+s18+$0xFFFFFFE0 ss:$0x1], $0xffff  }
0x28: {  	v3 =	vld.idx.msk [tilespmem:v0+s18+$0xFFFFFFF0 ss:$0x1], $0xffff  }
0x29: {  	v1 =	vld.idx.msk [tilespmem:v0+s18+$0x0 ss:$0x1], $0xffff  }
0x2a: {  	v2 =	vld.idx.msk [tilespmem:v0+s18+$0x10 ss:$0x1], $0xffff;
	[tilespmem:s13+$0x30] =	vst v6  }
0x2b: {  	s17 =	simm.s32 $0x80;
	s19 =	simm.s32 $0x400;
	[tilespmem:s13+$0xFFFFFFC0] =	vst v7;
	v6 =	vld.idx.msk [tilespmem:v0+s18+$0x20 ss:$0x1], $0xffff;
	s18 =	smov.u32 s13  }
.LBB1_4:
0x2c: {  	p1 =	sne.s32 s19, $0xE00;
	v7 =	vld.idx.msk [tilespmem:v0+s17+$0x30 ss:$0x1], $0xffff;
	[tilespmem:s18+$0xFFFFFFD0] =	vst v5  }
0x2d: {  	v8 =	vld.idx.msk [tilespmem:v0+s17+$0xFFFFFFC0 ss:$0x1], $0xffff;
	[tilespmem:s18+$0xFFFFFFE0] =	vst v4  }
0x2e: {  	v5 =	vld.idx.msk [tilespmem:v0+s17+$0xFFFFFFD0 ss:$0x1], $0xffff;
	[tilespmem:s18+$0xFFFFFFF0] =	vst v3  }
.Ltmp3:
0x2f: {  	v4 =	vld.idx.msk [tilespmem:v0+s17+$0xFFFFFFE0 ss:$0x1], $0xffff;
	[tilespmem:s18+$0x0] =	vst v1;
	(pc) =	sbr.rel @p1 .LBB1_4-.Ltmp3, $4  }
0x30: {  	v3 =	vld.idx.msk [tilespmem:v0+s17+$0xFFFFFFF0 ss:$0x1], $0xffff;
	[tilespmem:s18+$0x10] =	vst v2  }
0x31: {  	v1 =	vld.idx.msk [tilespmem:v0+s17+$0x0 ss:$0x1], $0xffff;
	[tilespmem:s18+$0x20] =	vst v6;
	s18 =	sadd.s32 $0x800, s18  }
0x32: {  	v2 =	vld.idx.msk [tilespmem:v0+s17+$0x10 ss:$0x1], $0xffff;
	[tilespmem:s18+$0x30] =	vst v7  }
0x33: {  	[tilespmem:s18+$0xFFFFFFC0] =	vst v8;
	v6 =	vld.idx.msk [tilespmem:v0+s17+$0x20 ss:$0x1], $0xffff;
	s17 =	sshra.s32 s19, $0x2;
	s19 =	sadd.s32 $0x200, s19  }
0x34: {  	_ =	sdelay $0x2  }
0x35: {  	[tilespmem:s18+$0xFFFFFFD0] =	vst v5  }
0x36: {  	v56 =	vld.idx.msk [tilespmem:v0+s17+$0x30 ss:$0x1], $0xffff;
	[tilespmem:s18+$0xFFFFFFE0] =	vst v4  }
0x37: {  	v57 =	vld.idx.msk [tilespmem:v0+s17+$0xFFFFFFC0 ss:$0x1], $0xffff;
	[tilespmem:s18+$0xFFFFFFF0] =	vst v3  }
0x38: {  	v58 =	vld.idx.msk [tilespmem:v0+s17+$0xFFFFFFD0 ss:$0x1], $0xffff;
	[tilespmem:s18+$0x0] =	vst v1  }
0x39: {  	v59 =	vld.idx.msk [tilespmem:v0+s17+$0xFFFFFFE0 ss:$0x1], $0xffff;
	[tilespmem:s18+$0x10] =	vst v2  }
0x3a: {  	v60 =	vld.idx.msk [tilespmem:v0+s17+$0xFFFFFFF0 ss:$0x1], $0xffff;
	s31 =	sadd.s32 $0x800, s18;
	[tilespmem:s18+$0x20] =	vst v6  }
0x3b: {  	v61 =	vld.idx.msk [tilespmem:v0+s17+$0x0 ss:$0x1], $0xffff;
	[tilespmem:s31+$0x30] =	vst v56  }
0x3c: {  	v62 =	vld.idx.msk [tilespmem:v0+s17+$0x10 ss:$0x1], $0xffff;
	s16 =	sadd.s32 $0x1, s16;
	[tilespmem:s31+$0xFFFFFFC0] =	vst v57  }
0x3d: {  	v63 =	vld.idx.msk [tilespmem:v0+s17+$0x20 ss:$0x1], $0xffff;
	p1 =	sne.s32 s16, $0x10;
	[tilespmem:s31+$0xFFFFFFD0] =	vst v58  }
.Ltmp4:
0x3e: {  	[tilespmem:s31+$0xFFFFFFE0] =	vst v59;
	(pc) =	sbr.rel @p1 .LBB1_3-.Ltmp4, $4  }
0x3f: {  	[tilespmem:s31+$0xFFFFFFF0] =	vst v60  }
0x40: {  	[tilespmem:s31+$0x0] =	vst v61  }
0x41: {  	[tilespmem:s31+$0x10] =	vst v62  }
0x42: {  	s13 =	sadd.s32 $0x80, s13;
	s15 =	sadd.s32 $0x400, s15;
	[tilespmem:s31+$0x20] =	vst v63  }
.Ltmp5:
0x43: {  	(pc) =	sbr.rel .LBB1_7-.Ltmp5, $4  }
0x44: {  	s12 =	sshll.u32 s12, $0xC;
	s11 =	sshll.u32 s11, $0x4  }
0x45: {  	s11 =	sand.u32 $0x1F0, s11;
	s12 =	sadd.s32 s3, s12  }
0x46: {  	s11 =	sadd.s32 s11, s12  }
0x47: {  	[hbm4b:s11+s6] =	stream.strided.scatter [tilespmem:s14], [sflag:$0x2], $0x4000, s7, s6, $0x38;
	[tilespmem:$0x10000] =	vst v63  }
.LBB1_8:
0x48: {  	_ =	sfence.sel $0x180000  }
0x49: {  	s2 =	simm.s32 $0x1;
	[bflag:$0x0] =	sbarrier.arrive $0xFFFF  }
0x4a: {  	s31 =	simm.s32 $0x2;
	[sflag:s2] =	ssyncpa.u1 $0x1  }
0x4b: {  	[sflag:s31] =	ssyncpa.u1 $0x1  }
0x4c: {  	p0 =	sne.s32 s1, $0x0;
	_ =	strace $0x90000047  }
0x4d: {  	s0 =	sadd.s32 @!p0 $0x100000, s0;
	[bflag:$0x2] =	sbarrier.arrive $0xFFFF  }
0x4e: {  	[sflag:s0] =	ssyncadd.tile.s32 @!p0 $0x1;
	_ =	shalt  }
.Lfunc_end1:
_tile_overlayer_lowered:
.L_overlay_start_2:
0x4f: {  	(tag) =	ssettag $0x2  }
0x50: {  	s0 =	rddreg [dreg:$0x0];
	s2 =	stileid.u32  }
0x51: {  	s1 =	rddreg [dreg:$0x1];
	p0 =	sne.s32 s2, $0x0  }
0x52: {  	s3 =	rddreg [dreg:$0x2];
	[bflag:$0x3] =	sbarrier.arrive $0xFFFF;
	s2 =	simm.s32 @!p0 $0x1C01  }
0x53: {  	[timem:s3], [sflag:s2] =	dma.local @!p0 [hbm:s0], s1  }
0x54: {  	s0 =	simm.s32 @!p0 $0x1  }
0x55: {  	_ =	swait.ge @!p0 [sflag:s0], s1  }
0x56: {  	s1 =	ssub.s32 @!p0 $0x0, s1;
	[sflag:s0] =	ssyncset.done @!p0 $0x0  }
0x57: {  	[sflag:s0] =	ssyncadd.s32 @!p0 s1  }
0x58: {  	[bflag:$0x3] =	sbarrier.arrive $0xFFFF  }
0x59: {  	_ =	shalt  }

</sc_bundles>
